<compile_context>
chip_gen: v7x
topology: tpu7x:2x2x1
jax: 0.10.2.dev20260603
libtpu: 0.0.44.dev20260713+nightly
codegen_flags: <defaults>
</compile_context>

<pallas_src>
import functools

import jax
import jax.numpy as jnp
from jax import lax
from jax.experimental import pallas as pl
from jax.experimental.pallas import tpu as pltpu
from jax.experimental.pallas import tpu_sc as plsc

D = 32
NW = 32
CHUNK = 1024
NBUF = 3


def _make_gather(b_total: int, n_rows: int):
    b_per_w = b_total // NW
    n_chunks = b_per_w // CHUNK
    mesh = plsc.VectorSubcoreMesh(core_axis_name="c", subcore_axis_name="s")

    @functools.partial(
        pl.kernel,
        mesh=mesh,
        compiler_params=pltpu.CompilerParams(use_tc_tiling_on_sc=False),
        out_type=jax.ShapeDtypeStruct((b_total, D), jnp.float32),
        scratch_types=[
            pltpu.VMEM((b_per_w,), jnp.int32),
            pltpu.VMEM((NBUF, CHUNK, D), jnp.float32),
            pltpu.SemaphoreType.DMA((NBUF,)),
            pltpu.SemaphoreType.DMA((NBUF,)),
        ],
    )
    def gather(idx_hbm, table_hbm, out_hbm, idx_v, rows_v, gsem, ssem):
        wid = lax.axis_index("s") * 2 + lax.axis_index("c")
        base = wid * b_per_w
        pltpu.sync_copy(idx_hbm.at[pl.ds(base, b_per_w)], idx_v)

        def start_gather(i, b):
            return pltpu.async_copy(
                table_hbm.at[idx_v.at[pl.ds(i * CHUNK, CHUNK)]],
                rows_v.at[b],
                gsem.at[b],
            )

        gcp = [None] * n_chunks
        scp = [None] * n_chunks
        for i in range(min(NBUF, n_chunks)):
            gcp[i] = start_gather(i, i)
        for i in range(n_chunks):
            b = i % NBUF
            gcp[i].wait()
            scp[i] = pltpu.async_copy(
                rows_v.at[b],
                out_hbm.at[pl.ds(base + i * CHUNK, CHUNK)],
                ssem.at[b],
            )
            nxt = i + NBUF
            if nxt < n_chunks:
                scp[i].wait()
                gcp[nxt] = start_gather(nxt, b)
        for i in range(max(0, n_chunks - NBUF), n_chunks):
            scp[i].wait()

    return gather


_TK = 126


def _transpose_to_rm(tab_t):
    d, n = tab_t.shape
    n_out = n * d // 128
    grid = (n + 128 * _TK - 1) // (128 * _TK)

    def body(x_ref, o_ref):
        xt = x_ref[...].T
        x3 = xt.reshape(_TK * d, 128 // d, d)
        o_ref[...] = jnp.concatenate(
            [x3[:, m, :] for m in range(128 // d)], axis=1
        )

    return pl.pallas_call(
        body,
        grid=(grid,),
        in_specs=[pl.BlockSpec((d, 128 * _TK), lambda g: (0, g))],
        out_specs=pl.BlockSpec((_TK * d, 128), lambda g: (g, 0)),
        out_shape=jax.ShapeDtypeStruct((n_out, 128), jnp.float32),
    )(tab_t)


def kernel(token_ids, embedding_matrix):
    nb, s = token_ids.shape
    n_rows, d = embedding_matrix.shape
    flat = token_ids.reshape(nb * s).astype(jnp.int32)
    tab_rm = _transpose_to_rm(embedding_matrix.T)
    tab = tab_rm.reshape(n_rows, d)
    out = _make_gather(nb * s, n_rows)(flat, tab)
    return out.reshape(nb, s, d)

# --- scband reference (transcript-rebuilt; emitter-appended) ---
"""Pipeline reference for scband-embedding-49314814492764 (READ-ONLY COPY).

The authoritative reference and input builder live on the scoring server;
editing this copy changes nothing except your own understanding.
"""

import jax, jax.numpy as jnp
import numpy as np

NUM_EMBEDDINGS = 1000000
EMBEDDING_DIM = 32

def setup_inputs(seed: int = 0) -> dict:
    key = jax.random.key(seed)
    k_idx, k_w = jax.random.split(key)
    token_ids = jax.random.randint(k_idx, (16384, 20), 0, NUM_EMBEDDINGS, dtype=jnp.int64 if jax.config.jax_enable_x64 else jnp.int32)
    # truncated normal init, sigma=1, trunc at +-3 sigma (matches torch trunc_normal_)
    embedding_matrix = jax.random.truncated_normal(k_w, -3.0, 3.0, (NUM_EMBEDDINGS, EMBEDDING_DIM), dtype=jnp.float32)
    return {"token_ids": token_ids, "embedding_matrix": embedding_matrix}

def reference(token_ids, embedding_matrix):
    # embedding lookup: gather rows of the table
    return jnp.take(embedding_matrix, token_ids, axis=0)

if __name__ == "__main__":
    import jax
    _d = setup_inputs()
    print(jax.jit(kernel)(*tuple(_d.values())))

</pallas_src>

<mosaic_0001>
#map = affine_map<(d0, d1) -> (0)>
#map1 = affine_map<(d0, d1) -> (0, 0)>
module attributes {stable_mosaic.version = 14 : i64} {
  func.func @gather(%arg0: i32, %arg1: i32, %arg2: memref<327680xi32, #tpu.memory_space<hbm>>, %arg3: memref<1000000x32xf32, #tpu.memory_space<hbm>>, %arg4: memref<327680x32xf32, #tpu.memory_space<hbm>>, %arg5: memref<10240xi32, #tpu.memory_space<vmem>>, %arg6: memref<3x1024x32xf32, #tpu.memory_space<vmem>>, %arg7: memref<3x!tpu.dma_semaphore, #tpu.memory_space<semaphore_mem>>, %arg8: memref<3x!tpu.dma_semaphore, #tpu.memory_space<semaphore_mem>>) attributes {dimension_semantics = [#tpu.dimension_semantics<core_parallel>, #tpu.dimension_semantics<subcore_parallel>], iteration_bounds = array<i64: 2, 16>, scalar_prefetch = 0 : i64, scratch_operands = 4 : i64, tpu.core_type = #tpu.core_type<sc_vector_subcore>, window_params = [{transform_indices = #map}, {transform_indices = #map1}, {transform_indices = #map1}]} {
    %mul3A = arith.constant 2 : i32
    %mul3A_0 = arith.muli %arg1, %mul3A : i32
    %add3A = arith.addi %mul3A_0, %arg0 : i32
    %mul3A_1 = arith.constant 10240 : i32
    %mul3A_2 = arith.muli %add3A, %mul3A_1 : i32
    "tpu.region"() ({
      %run_scoped3A = tpu.sem_alloc : memref<!tpu.dma_semaphore, #tpu.memory_space<semaphore_mem>>
      %dma_start3A_601 = tpu.memref_slice %arg2[%mul3A_2] : memref<327680xi32, #tpu.memory_space<hbm>> -> memref<10240xi32, #tpu.memory_space<hbm>>
      %dma_start3A_602 = tpu.memref_slice %arg2[%mul3A_2] : memref<327680xi32, #tpu.memory_space<hbm>> -> memref<10240xi32, #tpu.memory_space<hbm>>
      tpu.enqueue_dma source(%dma_start3A_602 : memref<10240xi32, #tpu.memory_space<hbm>>) target(%arg5 : memref<10240xi32, #tpu.memory_space<vmem>>) target_semaphore(%run_scoped3A : memref<!tpu.dma_semaphore, #tpu.memory_space<semaphore_mem>>)
      %dma_wait3A_603 = tpu.memref_slice %arg2[%mul3A_2] : memref<327680xi32, #tpu.memory_space<hbm>> -> memref<10240xi32, #tpu.memory_space<hbm>>
      %dma_wait3A_604 = tpu.memref_slice %arg2[%mul3A_2] : memref<327680xi32, #tpu.memory_space<hbm>> -> memref<10240xi32, #tpu.memory_space<hbm>>
      tpu.wait_dma2 semaphore(%run_scoped3A : memref<!tpu.dma_semaphore, #tpu.memory_space<semaphore_mem>>) src(%dma_wait3A_604 : memref<10240xi32, #tpu.memory_space<hbm>>) dst(%arg5 : memref<10240xi32, #tpu.memory_space<vmem>>)
      tpu.yield
    }) : () -> ()
    %dma_start3A = arith.constant 0 : i32
    %dma_start3A_3 = arith.constant 0 : i32
    %dma_start3A_4 = arith.constant 0 : i32
    %dma_start3A_5 = arith.constant 0 : i32
    %dma_start3A_6 = tpu.memref_slice %arg6[%dma_start3A, %dma_start3A_4, %dma_start3A_5] : memref<3x1024x32xf32, #tpu.memory_space<vmem>> -> memref<1x1024x32xf32, #tpu.memory_space<vmem>>
    %dma_start3A_7 = tpu.memref_squeeze %dma_start3A_6 : memref<1x1024x32xf32, #tpu.memory_space<vmem>> -> memref<1024x32xf32, #tpu.memory_space<vmem>>
    %dma_start3A_8 = arith.constant 0 : i32
    %dma_start3A_9 = tpu.memref_slice %arg5[%dma_start3A_8] : memref<10240xi32, #tpu.memory_space<vmem>> -> memref<1024xi32, #tpu.memory_space<vmem>>
    %dma_start3A_10 = arith.constant 0 : i32
    %dma_start3A_11 = arith.constant 0 : i32
    %dma_start3A_12 = tpu.memref_slice %arg3[%dma_start3A_10, %dma_start3A_11] : memref<1000000x32xf32, #tpu.memory_space<hbm>> -> memref<1000000x32xf32, #tpu.memory_space<hbm>>
    %dma_start3A_13 = tpu.memref_slice %arg7[%dma_start3A_3] : memref<3x!tpu.dma_semaphore, #tpu.memory_space<semaphore_mem>> -> memref<1x!tpu.dma_semaphore, #tpu.memory_space<semaphore_mem>>
    %dma_start3A_14 = tpu.memref_squeeze %dma_start3A_13 : memref<1x!tpu.dma_semaphore, #tpu.memory_space<semaphore_mem>> -> memref<!tpu.dma_semaphore, #tpu.memory_space<semaphore_mem>>
    tpu.enqueue_indirect_dma source(%dma_start3A_12 : memref<1000000x32xf32, #tpu.memory_space<hbm>>) target(%dma_start3A_7 : memref<1024x32xf32, #tpu.memory_space<vmem>>) offsets(%dma_start3A_9 : memref<1024xi32, #tpu.memory_space<vmem>>) semaphore(%dma_start3A_14 : memref<!tpu.dma_semaphore, #tpu.memory_space<semaphore_mem>>)
    %dma_start3A_15 = arith.constant 1 : i32
    %dma_start3A_16 = arith.constant 1 : i32
    %dma_start3A_17 = arith.constant 0 : i32
    %dma_start3A_18 = arith.constant 0 : i32
    %dma_start3A_19 = tpu.memref_slice %arg6[%dma_start3A_15, %dma_start3A_17, %dma_start3A_18] : memref<3x1024x32xf32, #tpu.memory_space<vmem>> -> memref<1x1024x32xf32, #tpu.memory_space<vmem>>
    %dma_start3A_20 = tpu.memref_squeeze %dma_start3A_19 : memref<1x1024x32xf32, #tpu.memory_space<vmem>> -> memref<1024x32xf32, #tpu.memory_space<vmem>>
    %dma_start3A_21 = arith.constant 1024 : i32
    %dma_start3A_22 = tpu.memref_slice %arg5[%dma_start3A_21] : memref<10240xi32, #tpu.memory_space<vmem>> -> memref<1024xi32, #tpu.memory_space<vmem>>
    %dma_start3A_23 = arith.constant 0 : i32
    %dma_start3A_24 = arith.constant 0 : i32
    %dma_start3A_25 = tpu.memref_slice %arg3[%dma_start3A_23, %dma_start3A_24] : memref<1000000x32xf32, #tpu.memory_space<hbm>> -> memref<1000000x32xf32, #tpu.memory_space<hbm>>
    %dma_start3A_26 = tpu.memref_slice %arg7[%dma_start3A_16] : memref<3x!tpu.dma_semaphore, #tpu.memory_space<semaphore_mem>> -> memref<1x!tpu.dma_semaphore, #tpu.memory_space<semaphore_mem>>
    %dma_start3A_27 = tpu.memref_squeeze %dma_start3A_26 : memref<1x!tpu.dma_semaphore, #tpu.memory_space<semaphore_mem>> -> memref<!tpu.dma_semaphore, #tpu.memory_space<semaphore_mem>>
    tpu.enqueue_indirect_dma source(%dma_start3A_25 : memref<1000000x32xf32, #tpu.memory_space<hbm>>) target(%dma_start3A_20 : memref<1024x32xf32, #tpu.memory_space<vmem>>) offsets(%dma_start3A_22 : memref<1024xi32, #tpu.memory_space<vmem>>) semaphore(%dma_start3A_27 : memref<!tpu.dma_semaphore, #tpu.memory_space<semaphore_mem>>)
    %dma_start3A_28 = arith.constant 2 : i32
    %dma_start3A_29 = arith.constant 2 : i32
    %dma_start3A_30 = arith.constant 0 : i32
    %dma_start3A_31 = arith.constant 0 : i32
    %dma_start3A_32 = tpu.memref_slice %arg6[%dma_start3A_28, %dma_start3A_30, %dma_start3A_31] : memref<3x1024x32xf32, #tpu.memory_space<vmem>> -> memref<1x1024x32xf32, #tpu.memory_space<vmem>>
    %dma_start3A_33 = tpu.memref_squeeze %dma_start3A_32 : memref<1x1024x32xf32, #tpu.memory_space<vmem>> -> memref<1024x32xf32, #tpu.memory_space<vmem>>
    %dma_start3A_34 = arith.constant 2048 : i32
    %dma_start3A_35 = tpu.memref_slice %arg5[%dma_start3A_34] : memref<10240xi32, #tpu.memory_space<vmem>> -> memref<1024xi32, #tpu.memory_space<vmem>>
    %dma_start3A_36 = arith.constant 0 : i32
    %dma_start3A_37 = arith.constant 0 : i32
    %dma_start3A_38 = tpu.memref_slice %arg3[%dma_start3A_36, %dma_start3A_37] : memref<1000000x32xf32, #tpu.memory_space<hbm>> -> memref<1000000x32xf32, #tpu.memory_space<hbm>>
    %dma_start3A_39 = tpu.memref_slice %arg7[%dma_start3A_29] : memref<3x!tpu.dma_semaphore, #tpu.memory_space<semaphore_mem>> -> memref<1x!tpu.dma_semaphore, #tpu.memory_space<semaphore_mem>>
    %dma_start3A_40 = tpu.memref_squeeze %dma_start3A_39 : memref<1x!tpu.dma_semaphore, #tpu.memory_space<semaphore_mem>> -> memref<!tpu.dma_semaphore, #tpu.memory_space<semaphore_mem>>
    tpu.enqueue_indirect_dma source(%dma_start3A_38 : memref<1000000x32xf32, #tpu.memory_space<hbm>>) target(%dma_start3A_33 : memref<1024x32xf32, #tpu.memory_space<vmem>>) offsets(%dma_start3A_35 : memref<1024xi32, #tpu.memory_space<vmem>>) semaphore(%dma_start3A_40 : memref<!tpu.dma_semaphore, #tpu.memory_space<semaphore_mem>>)
    %dma_wait3A = arith.constant 0 : i32
    %dma_wait3A_41 = arith.constant 0 : i32
    %dma_wait3A_42 = arith.constant 0 : i32
    %dma_wait3A_43 = arith.constant 0 : i32
    %dma_wait3A_44 = tpu.memref_slice %arg6[%dma_wait3A, %dma_wait3A_42, %dma_wait3A_43] : memref<3x1024x32xf32, #tpu.memory_space<vmem>> -> memref<1x1024x32xf32, #tpu.memory_space<vmem>>
    %dma_wait3A_45 = tpu.memref_squeeze %dma_wait3A_44 : memref<1x1024x32xf32, #tpu.memory_space<vmem>> -> memref<1024x32xf32, #tpu.memory_space<vmem>>
    %dma_wait3A_46 = arith.constant 0 : i32
    %dma_wait3A_47 = tpu.memref_slice %arg5[%dma_wait3A_46] : memref<10240xi32, #tpu.memory_space<vmem>> -> memref<1024xi32, #tpu.memory_space<vmem>>
    %dma_wait3A_48 = arith.constant 0 : i32
    %dma_wait3A_49 = arith.constant 0 : i32
    %dma_wait3A_50 = tpu.memref_slice %arg3[%dma_wait3A_48, %dma_wait3A_49] : memref<1000000x32xf32, #tpu.memory_space<hbm>> -> memref<1000000x32xf32, #tpu.memory_space<hbm>>
    %dma_wait3A_51 = tpu.memref_slice %arg7[%dma_wait3A_41] : memref<3x!tpu.dma_semaphore, #tpu.memory_space<semaphore_mem>> -> memref<1x!tpu.dma_semaphore, #tpu.memory_space<semaphore_mem>>
    %dma_wait3A_52 = tpu.memref_squeeze %dma_wait3A_51 : memref<1x!tpu.dma_semaphore, #tpu.memory_space<semaphore_mem>> -> memref<!tpu.dma_semaphore, #tpu.memory_space<semaphore_mem>>
    tpu.wait_indirect_dma semaphore(%dma_wait3A_52 : memref<!tpu.dma_semaphore, #tpu.memory_space<semaphore_mem>>) src(%dma_wait3A_50 : memref<1000000x32xf32, #tpu.memory_space<hbm>>) dst(%dma_wait3A_45 : memref<1024x32xf32, #tpu.memory_space<vmem>>)
    %add3A_53 = arith.constant 0 : i32
    %add3A_54 = arith.addi %mul3A_2, %add3A_53 : i32
    %dma_start3A_55 = arith.constant 0 : i32
    %dma_start3A_56 = arith.constant 0 : i32
    %dma_start3A_57 = arith.constant 0 : i32
    %dma_start3A_58 = arith.constant 0 : i32
    %dma_start3A_59 = tpu.memref_slice %arg6[%dma_start3A_55, %dma_start3A_57, %dma_start3A_58] : memref<3x1024x32xf32, #tpu.memory_space<vmem>> -> memref<1x1024x32xf32, #tpu.memory_space<vmem>>
    %dma_start3A_60 = tpu.memref_squeeze %dma_start3A_59 : memref<1x1024x32xf32, #tpu.memory_space<vmem>> -> memref<1024x32xf32, #tpu.memory_space<vmem>>
    %dma_start3A_61 = arith.constant 0 : i32
    %dma_start3A_62 = tpu.memref_slice %arg4[%add3A_54, %dma_start3A_61] : memref<327680x32xf32, #tpu.memory_space<hbm>> -> memref<1024x32xf32, #tpu.memory_space<hbm>>
    %dma_start3A_63 = tpu.memref_slice %arg8[%dma_start3A_56] : memref<3x!tpu.dma_semaphore, #tpu.memory_space<semaphore_mem>> -> memref<1x!tpu.dma_semaphore, #tpu.memory_space<semaphore_mem>>
    %dma_start3A_64 = tpu.memref_squeeze %dma_start3A_63 : memref<1x!tpu.dma_semaphore, #tpu.memory_space<semaphore_mem>> -> memref<!tpu.dma_semaphore, #tpu.memory_space<semaphore_mem>>
    %dma_start3A_65 = arith.constant 0 : i32
    %dma_start3A_66 = tpu.memref_slice %arg4[%add3A_54, %dma_start3A_65] : memref<327680x32xf32, #tpu.memory_space<hbm>> -> memref<1024x32xf32, #tpu.memory_space<hbm>>
    %dma_start3A_67 = arith.constant 0 : i32
    %dma_start3A_68 = arith.constant 0 : i32
    %dma_start3A_69 = tpu.memref_slice %arg6[%dma_start3A_55, %dma_start3A_67, %dma_start3A_68] : memref<3x1024x32xf32, #tpu.memory_space<vmem>> -> memref<1x1024x32xf32, #tpu.memory_space<vmem>>
    %dma_start3A_70 = tpu.memref_squeeze %dma_start3A_69 : memref<1x1024x32xf32, #tpu.memory_space<vmem>> -> memref<1024x32xf32, #tpu.memory_space<vmem>>
    tpu.enqueue_dma source(%dma_start3A_70 : memref<1024x32xf32, #tpu.memory_space<vmem>>) target(%dma_start3A_66 : memref<1024x32xf32, #tpu.memory_space<hbm>>) target_semaphore(%dma_start3A_64 : memref<!tpu.dma_semaphore, #tpu.memory_space<semaphore_mem>>)
    %dma_wait3A_71 = arith.constant 0 : i32
    %dma_wait3A_72 = arith.constant 0 : i32
    %dma_wait3A_73 = arith.constant 0 : i32
    %dma_wait3A_74 = arith.constant 0 : i32
    %dma_wait3A_75 = tpu.memref_slice %arg6[%dma_wait3A_71, %dma_wait3A_73, %dma_wait3A_74] : memref<3x1024x32xf32, #tpu.memory_space<vmem>> -> memref<1x1024x32xf32, #tpu.memory_space<vmem>>
    %dma_wait3A_76 = tpu.memref_squeeze %dma_wait3A_75 : memref<1x1024x32xf32, #tpu.memory_space<vmem>> -> memref<1024x32xf32, #tpu.memory_space<vmem>>
    %dma_wait3A_77 = arith.constant 0 : i32
    %dma_wait3A_78 = tpu.memref_slice %arg4[%add3A_54, %dma_wait3A_77] : memref<327680x32xf32, #tpu.memory_space<hbm>> -> memref<1024x32xf32, #tpu.memory_space<hbm>>
    %dma_wait3A_79 = tpu.memref_slice %arg8[%dma_wait3A_72] : memref<3x!tpu.dma_semaphore, #tpu.memory_space<semaphore_mem>> -> memref<1x!tpu.dma_semaphore, #tpu.memory_space<semaphore_mem>>
    %dma_wait3A_80 = tpu.memref_squeeze %dma_wait3A_79 : memref<1x!tpu.dma_semaphore, #tpu.memory_space<semaphore_mem>> -> memref<!tpu.dma_semaphore, #tpu.memory_space<semaphore_mem>>
    %dma_wait3A_81 = arith.constant 0 : i32
    %dma_wait3A_82 = tpu.memref_slice %arg4[%add3A_54, %dma_wait3A_81] : memref<327680x32xf32, #tpu.memory_space<hbm>> -> memref<1024x32xf32, #tpu.memory_space<hbm>>
    %dma_wait3A_83 = arith.constant 0 : i32
    %dma_wait3A_84 = arith.constant 0 : i32
    %dma_wait3A_85 = tpu.memref_slice %arg6[%dma_wait3A_71, %dma_wait3A_83, %dma_wait3A_84] : memref<3x1024x32xf32, #tpu.memory_space<vmem>> -> memref<1x1024x32xf32, #tpu.memory_space<vmem>>
    %dma_wait3A_86 = tpu.memref_squeeze %dma_wait3A_85 : memref<1x1024x32xf32, #tpu.memory_space<vmem>> -> memref<1024x32xf32, #tpu.memory_space<vmem>>
    tpu.wait_dma2 semaphore(%dma_wait3A_80 : memref<!tpu.dma_semaphore, #tpu.memory_space<semaphore_mem>>) src(%dma_wait3A_86 : memref<1024x32xf32, #tpu.memory_space<vmem>>) dst(%dma_wait3A_82 : memref<1024x32xf32, #tpu.memory_space<hbm>>)
    %dma_start3A_87 = arith.constant 0 : i32
    %dma_start3A_88 = arith.constant 0 : i32
    %dma_start3A_89 = arith.constant 0 : i32
    %dma_start3A_90 = arith.constant 0 : i32
    %dma_start3A_91 = tpu.memref_slice %arg6[%dma_start3A_87, %dma_start3A_89, %dma_start3A_90] : memref<3x1024x32xf32, #tpu.memory_space<vmem>> -> memref<1x1024x32xf32, #tpu.memory_space<vmem>>
    %dma_start3A_92 = tpu.memref_squeeze %dma_start3A_91 : memref<1x1024x32xf32, #tpu.memory_space<vmem>> -> memref<1024x32xf32, #tpu.memory_space<vmem>>
    %dma_start3A_93 = arith.constant 3072 : i32
    %dma_start3A_94 = tpu.memref_slice %arg5[%dma_start3A_93] : memref<10240xi32, #tpu.memory_space<vmem>> -> memref<1024xi32, #tpu.memory_space<vmem>>
    %dma_start3A_95 = arith.constant 0 : i32
    %dma_start3A_96 = arith.constant 0 : i32
    %dma_start3A_97 = tpu.memref_slice %arg3[%dma_start3A_95, %dma_start3A_96] : memref<1000000x32xf32, #tpu.memory_space<hbm>> -> memref<1000000x32xf32, #tpu.memory_space<hbm>>
    %dma_start3A_98 = tpu.memref_slice %arg7[%dma_start3A_88] : memref<3x!tpu.dma_semaphore, #tpu.memory_space<semaphore_mem>> -> memref<1x!tpu.dma_semaphore, #tpu.memory_space<semaphore_mem>>
    %dma_start3A_99 = tpu.memref_squeeze %dma_start3A_98 : memref<1x!tpu.dma_semaphore, #tpu.memory_space<semaphore_mem>> -> memref<!tpu.dma_semaphore, #tpu.memory_space<semaphore_mem>>
    tpu.enqueue_indirect_dma source(%dma_start3A_97 : memref<1000000x32xf32, #tpu.memory_space<hbm>>) target(%dma_start3A_92 : memref<1024x32xf32, #tpu.memory_space<vmem>>) offsets(%dma_start3A_94 : memref<1024xi32, #tpu.memory_space<vmem>>) semaphore(%dma_start3A_99 : memref<!tpu.dma_semaphore, #tpu.memory_space<semaphore_mem>>)
    %dma_wait3A_100 = arith.constant 1 : i32
    %dma_wait3A_101 = arith.constant 1 : i32
    %dma_wait3A_102 = arith.constant 0 : i32
    %dma_wait3A_103 = arith.constant 0 : i32
    %dma_wait3A_104 = tpu.memref_slice %arg6[%dma_wait3A_100, %dma_wait3A_102, %dma_wait3A_103] : memref<3x1024x32xf32, #tpu.memory_space<vmem>> -> memref<1x1024x32xf32, #tpu.memory_space<vmem>>
    %dma_wait3A_105 = tpu.memref_squeeze %dma_wait3A_104 : memref<1x1024x32xf32, #tpu.memory_space<vmem>> -> memref<1024x32xf32, #tpu.memory_space<vmem>>
    %dma_wait3A_106 = arith.constant 1024 : i32
    %dma_wait3A_107 = tpu.memref_slice %arg5[%dma_wait3A_106] : memref<10240xi32, #tpu.memory_space<vmem>> -> memref<1024xi32, #tpu.memory_space<vmem>>
    %dma_wait3A_108 = arith.constant 0 : i32
    %dma_wait3A_109 = arith.constant 0 : i32
    %dma_wait3A_110 = tpu.memref_slice %arg3[%dma_wait3A_108, %dma_wait3A_109] : memref<1000000x32xf32, #tpu.memory_space<hbm>> -> memref<1000000x32xf32, #tpu.memory_space<hbm>>
    %dma_wait3A_111 = tpu.memref_slice %arg7[%dma_wait3A_101] : memref<3x!tpu.dma_semaphore, #tpu.memory_space<semaphore_mem>> -> memref<1x!tpu.dma_semaphore, #tpu.memory_space<semaphore_mem>>
    %dma_wait3A_112 = tpu.memref_squeeze %dma_wait3A_111 : memref<1x!tpu.dma_semaphore, #tpu.memory_space<semaphore_mem>> -> memref<!tpu.dma_semaphore, #tpu.memory_space<semaphore_mem>>
    tpu.wait_indirect_dma semaphore(%dma_wait3A_112 : memref<!tpu.dma_semaphore, #tpu.memory_space<semaphore_mem>>) src(%dma_wait3A_110 : memref<1000000x32xf32, #tpu.memory_space<hbm>>) dst(%dma_wait3A_105 : memref<1024x32xf32, #tpu.memory_space<vmem>>)
    %add3A_113 = arith.constant 1024 : i32
    %add3A_114 = arith.addi %mul3A_2, %add3A_113 : i32
    %dma_start3A_115 = arith.constant 1 : i32
    %dma_start3A_116 = arith.constant 1 : i32
    %dma_start3A_117 = arith.constant 0 : i32
    %dma_start3A_118 = arith.constant 0 : i32
    %dma_start3A_119 = tpu.memref_slice %arg6[%dma_start3A_115, %dma_start3A_117, %dma_start3A_118] : memref<3x1024x32xf32, #tpu.memory_space<vmem>> -> memref<1x1024x32xf32, #tpu.memory_space<vmem>>
    %dma_start3A_120 = tpu.memref_squeeze %dma_start3A_119 : memref<1x1024x32xf32, #tpu.memory_space<vmem>> -> memref<1024x32xf32, #tpu.memory_space<vmem>>
    %dma_start3A_121 = arith.constant 0 : i32
    %dma_start3A_122 = tpu.memref_slice %arg4[%add3A_114, %dma_start3A_121] : memref<327680x32xf32, #tpu.memory_space<hbm>> -> memref<1024x32xf32, #tpu.memory_space<hbm>>
    %dma_start3A_123 = tpu.memref_slice %arg8[%dma_start3A_116] : memref<3x!tpu.dma_semaphore, #tpu.memory_space<semaphore_mem>> -> memref<1x!tpu.dma_semaphore, #tpu.memory_space<semaphore_mem>>
    %dma_start3A_124 = tpu.memref_squeeze %dma_start3A_123 : memref<1x!tpu.dma_semaphore, #tpu.memory_space<semaphore_mem>> -> memref<!tpu.dma_semaphore, #tpu.memory_space<semaphore_mem>>
    %dma_start3A_125 = arith.constant 0 : i32
    %dma_start3A_126 = tpu.memref_slice %arg4[%add3A_114, %dma_start3A_125] : memref<327680x32xf32, #tpu.memory_space<hbm>> -> memref<1024x32xf32, #tpu.memory_space<hbm>>
    %dma_start3A_127 = arith.constant 0 : i32
    %dma_start3A_128 = arith.constant 0 : i32
    %dma_start3A_129 = tpu.memref_slice %arg6[%dma_start3A_115, %dma_start3A_127, %dma_start3A_128] : memref<3x1024x32xf32, #tpu.memory_space<vmem>> -> memref<1x1024x32xf32, #tpu.memory_space<vmem>>
    %dma_start3A_130 = tpu.memref_squeeze %dma_start3A_129 : memref<1x1024x32xf32, #tpu.memory_space<vmem>> -> memref<1024x32xf32, #tpu.memory_space<vmem>>
    tpu.enqueue_dma source(%dma_start3A_130 : memref<1024x32xf32, #tpu.memory_space<vmem>>) target(%dma_start3A_126 : memref<1024x32xf32, #tpu.memory_space<hbm>>) target_semaphore(%dma_start3A_124 : memref<!tpu.dma_semaphore, #tpu.memory_space<semaphore_mem>>)
    %dma_wait3A_131 = arith.constant 1 : i32
    %dma_wait3A_132 = arith.constant 1 : i32
    %dma_wait3A_133 = arith.constant 0 : i32
    %dma_wait3A_134 = arith.constant 0 : i32
    %dma_wait3A_135 = tpu.memref_slice %arg6[%dma_wait3A_131, %dma_wait3A_133, %dma_wait3A_134] : memref<3x1024x32xf32, #tpu.memory_space<vmem>> -> memref<1x1024x32xf32, #tpu.memory_space<vmem>>
    %dma_wait3A_136 = tpu.memref_squeeze %dma_wait3A_135 : memref<1x1024x32xf32, #tpu.memory_space<vmem>> -> memref<1024x32xf32, #tpu.memory_space<vmem>>
    %dma_wait3A_137 = arith.constant 0 : i32
    %dma_wait3A_138 = tpu.memref_slice %arg4[%add3A_114, %dma_wait3A_137] : memref<327680x32xf32, #tpu.memory_space<hbm>> -> memref<1024x32xf32, #tpu.memory_space<hbm>>
    %dma_wait3A_139 = tpu.memref_slice %arg8[%dma_wait3A_132] : memref<3x!tpu.dma_semaphore, #tpu.memory_space<semaphore_mem>> -> memref<1x!tpu.dma_semaphore, #tpu.memory_space<semaphore_mem>>
    %dma_wait3A_140 = tpu.memref_squeeze %dma_wait3A_139 : memref<1x!tpu.dma_semaphore, #tpu.memory_space<semaphore_mem>> -> memref<!tpu.dma_semaphore, #tpu.memory_space<semaphore_mem>>
    %dma_wait3A_141 = arith.constant 0 : i32
    %dma_wait3A_142 = tpu.memref_slice %arg4[%add3A_114, %dma_wait3A_141] : memref<327680x32xf32, #tpu.memory_space<hbm>> -> memref<1024x32xf32, #tpu.memory_space<hbm>>
    %dma_wait3A_143 = arith.constant 0 : i32
    %dma_wait3A_144 = arith.constant 0 : i32
    %dma_wait3A_145 = tpu.memref_slice %arg6[%dma_wait3A_131, %dma_wait3A_143, %dma_wait3A_144] : memref<3x1024x32xf32, #tpu.memory_space<vmem>> -> memref<1x1024x32xf32, #tpu.memory_space<vmem>>
    %dma_wait3A_146 = tpu.memref_squeeze %dma_wait3A_145 : memref<1x1024x32xf32, #tpu.memory_space<vmem>> -> memref<1024x32xf32, #tpu.memory_space<vmem>>
    tpu.wait_dma2 semaphore(%dma_wait3A_140 : memref<!tpu.dma_semaphore, #tpu.memory_space<semaphore_mem>>) src(%dma_wait3A_146 : memref<1024x32xf32, #tpu.memory_space<vmem>>) dst(%dma_wait3A_142 : memref<1024x32xf32, #tpu.memory_space<hbm>>)
    %dma_start3A_147 = arith.constant 1 : i32
    %dma_start3A_148 = arith.constant 1 : i32
    %dma_start3A_149 = arith.constant 0 : i32
    %dma_start3A_150 = arith.constant 0 : i32
    %dma_start3A_151 = tpu.memref_slice %arg6[%dma_start3A_147, %dma_start3A_149, %dma_start3A_150] : memref<3x1024x32xf32, #tpu.memory_space<vmem>> -> memref<1x1024x32xf32, #tpu.memory_space<vmem>>
    %dma_start3A_152 = tpu.memref_squeeze %dma_start3A_151 : memref<1x1024x32xf32, #tpu.memory_space<vmem>> -> memref<1024x32xf32, #tpu.memory_space<vmem>>
    %dma_start3A_153 = arith.constant 4096 : i32
    %dma_start3A_154 = tpu.memref_slice %arg5[%dma_start3A_153] : memref<10240xi32, #tpu.memory_space<vmem>> -> memref<1024xi32, #tpu.memory_space<vmem>>
    %dma_start3A_155 = arith.constant 0 : i32
    %dma_start3A_156 = arith.constant 0 : i32
    %dma_start3A_157 = tpu.memref_slice %arg3[%dma_start3A_155, %dma_start3A_156] : memref<1000000x32xf32, #tpu.memory_space<hbm>> -> memref<1000000x32xf32, #tpu.memory_space<hbm>>
    %dma_start3A_158 = tpu.memref_slice %arg7[%dma_start3A_148] : memref<3x!tpu.dma_semaphore, #tpu.memory_space<semaphore_mem>> -> memref<1x!tpu.dma_semaphore, #tpu.memory_space<semaphore_mem>>
    %dma_start3A_159 = tpu.memref_squeeze %dma_start3A_158 : memref<1x!tpu.dma_semaphore, #tpu.memory_space<semaphore_mem>> -> memref<!tpu.dma_semaphore, #tpu.memory_space<semaphore_mem>>
    tpu.enqueue_indirect_dma source(%dma_start3A_157 : memref<1000000x32xf32, #tpu.memory_space<hbm>>) target(%dma_start3A_152 : memref<1024x32xf32, #tpu.memory_space<vmem>>) offsets(%dma_start3A_154 : memref<1024xi32, #tpu.memory_space<vmem>>) semaphore(%dma_start3A_159 : memref<!tpu.dma_semaphore, #tpu.memory_space<semaphore_mem>>)
    %dma_wait3A_160 = arith.constant 2 : i32
    %dma_wait3A_161 = arith.constant 2 : i32
    %dma_wait3A_162 = arith.constant 0 : i32
    %dma_wait3A_163 = arith.constant 0 : i32
    %dma_wait3A_164 = tpu.memref_slice %arg6[%dma_wait3A_160, %dma_wait3A_162, %dma_wait3A_163] : memref<3x1024x32xf32, #tpu.memory_space<vmem>> -> memref<1x1024x32xf32, #tpu.memory_space<vmem>>
    %dma_wait3A_165 = tpu.memref_squeeze %dma_wait3A_164 : memref<1x1024x32xf32, #tpu.memory_space<vmem>> -> memref<1024x32xf32, #tpu.memory_space<vmem>>
    %dma_wait3A_166 = arith.constant 2048 : i32
    %dma_wait3A_167 = tpu.memref_slice %arg5[%dma_wait3A_166] : memref<10240xi32, #tpu.memory_space<vmem>> -> memref<1024xi32, #tpu.memory_space<vmem>>
    %dma_wait3A_168 = arith.constant 0 : i32
    %dma_wait3A_169 = arith.constant 0 : i32
    %dma_wait3A_170 = tpu.memref_slice %arg3[%dma_wait3A_168, %dma_wait3A_169] : memref<1000000x32xf32, #tpu.memory_space<hbm>> -> memref<1000000x32xf32, #tpu.memory_space<hbm>>
    %dma_wait3A_171 = tpu.memref_slice %arg7[%dma_wait3A_161] : memref<3x!tpu.dma_semaphore, #tpu.memory_space<semaphore_mem>> -> memref<1x!tpu.dma_semaphore, #tpu.memory_space<semaphore_mem>>
    %dma_wait3A_172 = tpu.memref_squeeze %dma_wait3A_171 : memref<1x!tpu.dma_semaphore, #tpu.memory_space<semaphore_mem>> -> memref<!tpu.dma_semaphore, #tpu.memory_space<semaphore_mem>>
    tpu.wait_indirect_dma semaphore(%dma_wait3A_172 : memref<!tpu.dma_semaphore, #tpu.memory_space<semaphore_mem>>) src(%dma_wait3A_170 : memref<1000000x32xf32, #tpu.memory_space<hbm>>) dst(%dma_wait3A_165 : memref<1024x32xf32, #tpu.memory_space<vmem>>)
    %add3A_173 = arith.constant 2048 : i32
    %add3A_174 = arith.addi %mul3A_2, %add3A_173 : i32
    %dma_start3A_175 = arith.constant 2 : i32
    %dma_start3A_176 = arith.constant 2 : i32
    %dma_start3A_177 = arith.constant 0 : i32
    %dma_start3A_178 = arith.constant 0 : i32
    %dma_start3A_179 = tpu.memref_slice %arg6[%dma_start3A_175, %dma_start3A_177, %dma_start3A_178] : memref<3x1024x32xf32, #tpu.memory_space<vmem>> -> memref<1x1024x32xf32, #tpu.memory_space<vmem>>
    %dma_start3A_180 = tpu.memref_squeeze %dma_start3A_179 : memref<1x1024x32xf32, #tpu.memory_space<vmem>> -> memref<1024x32xf32, #tpu.memory_space<vmem>>
    %dma_start3A_181 = arith.constant 0 : i32
    %dma_start3A_182 = tpu.memref_slice %arg4[%add3A_174, %dma_start3A_181] : memref<327680x32xf32, #tpu.memory_space<hbm>> -> memref<1024x32xf32, #tpu.memory_space<hbm>>
    %dma_start3A_183 = tpu.memref_slice %arg8[%dma_start3A_176] : memref<3x!tpu.dma_semaphore, #tpu.memory_space<semaphore_mem>> -> memref<1x!tpu.dma_semaphore, #tpu.memory_space<semaphore_mem>>
    %dma_start3A_184 = tpu.memref_squeeze %dma_start3A_183 : memref<1x!tpu.dma_semaphore, #tpu.memory_space<semaphore_mem>> -> memref<!tpu.dma_semaphore, #tpu.memory_space<semaphore_mem>>
    %dma_start3A_185 = arith.constant 0 : i32
    %dma_start3A_186 = tpu.memref_slice %arg4[%add3A_174, %dma_start3A_185] : memref<327680x32xf32, #tpu.memory_space<hbm>> -> memref<1024x32xf32, #tpu.memory_space<hbm>>
    %dma_start3A_187 = arith.constant 0 : i32
    %dma_start3A_188 = arith.constant 0 : i32
    %dma_start3A_189 = tpu.memref_slice %arg6[%dma_start3A_175, %dma_start3A_187, %dma_start3A_188] : memref<3x1024x32xf32, #tpu.memory_space<vmem>> -> memref<1x1024x32xf32, #tpu.memory_space<vmem>>
    %dma_start3A_190 = tpu.memref_squeeze %dma_start3A_189 : memref<1x1024x32xf32, #tpu.memory_space<vmem>> -> memref<1024x32xf32, #tpu.memory_space<vmem>>
    tpu.enqueue_dma source(%dma_start3A_190 : memref<1024x32xf32, #tpu.memory_space<vmem>>) target(%dma_start3A_186 : memref<1024x32xf32, #tpu.memory_space<hbm>>) target_semaphore(%dma_start3A_184 : memref<!tpu.dma_semaphore, #tpu.memory_space<semaphore_mem>>)
    %dma_wait3A_191 = arith.constant 2 : i32
    %dma_wait3A_192 = arith.constant 2 : i32
    %dma_wait3A_193 = arith.constant 0 : i32
    %dma_wait3A_194 = arith.constant 0 : i32
    %dma_wait3A_195 = tpu.memref_slice %arg6[%dma_wait3A_191, %dma_wait3A_193, %dma_wait3A_194] : memref<3x1024x32xf32, #tpu.memory_space<vmem>> -> memref<1x1024x32xf32, #tpu.memory_space<vmem>>
    %dma_wait3A_196 = tpu.memref_squeeze %dma_wait3A_195 : memref<1x1024x32xf32, #tpu.memory_space<vmem>> -> memref<1024x32xf32, #tpu.memory_space<vmem>>
    %dma_wait3A_197 = arith.constant 0 : i32
    %dma_wait3A_198 = tpu.memref_slice %arg4[%add3A_174, %dma_wait3A_197] : memref<327680x32xf32, #tpu.memory_space<hbm>> -> memref<1024x32xf32, #tpu.memory_space<hbm>>
    %dma_wait3A_199 = tpu.memref_slice %arg8[%dma_wait3A_192] : memref<3x!tpu.dma_semaphore, #tpu.memory_space<semaphore_mem>> -> memref<1x!tpu.dma_semaphore, #tpu.memory_space<semaphore_mem>>
    %dma_wait3A_200 = tpu.memref_squeeze %dma_wait3A_199 : memref<1x!tpu.dma_semaphore, #tpu.memory_space<semaphore_mem>> -> memref<!tpu.dma_semaphore, #tpu.memory_space<semaphore_mem>>
    %dma_wait3A_201 = arith.constant 0 : i32
    %dma_wait3A_202 = tpu.memref_slice %arg4[%add3A_174, %dma_wait3A_201] : memref<327680x32xf32, #tpu.memory_space<hbm>> -> memref<1024x32xf32, #tpu.memory_space<hbm>>
    %dma_wait3A_203 = arith.constant 0 : i32
    %dma_wait3A_204 = arith.constant 0 : i32
    %dma_wait3A_205 = tpu.memref_slice %arg6[%dma_wait3A_191, %dma_wait3A_203, %dma_wait3A_204] : memref<3x1024x32xf32, #tpu.memory_space<vmem>> -> memref<1x1024x32xf32, #tpu.memory_space<vmem>>
    %dma_wait3A_206 = tpu.memref_squeeze %dma_wait3A_205 : memref<1x1024x32xf32, #tpu.memory_space<vmem>> -> memref<1024x32xf32, #tpu.memory_space<vmem>>
    tpu.wait_dma2 semaphore(%dma_wait3A_200 : memref<!tpu.dma_semaphore, #tpu.memory_space<semaphore_mem>>) src(%dma_wait3A_206 : memref<1024x32xf32, #tpu.memory_space<vmem>>) dst(%dma_wait3A_202 : memref<1024x32xf32, #tpu.memory_space<hbm>>)
    %dma_start3A_207 = arith.constant 2 : i32
    %dma_start3A_208 = arith.constant 2 : i32
    %dma_start3A_209 = arith.constant 0 : i32
    %dma_start3A_210 = arith.constant 0 : i32
    %dma_start3A_211 = tpu.memref_slice %arg6[%dma_start3A_207, %dma_start3A_209, %dma_start3A_210] : memref<3x1024x32xf32, #tpu.memory_space<vmem>> -> memref<1x1024x32xf32, #tpu.memory_space<vmem>>
    %dma_start3A_212 = tpu.memref_squeeze %dma_start3A_211 : memref<1x1024x32xf32, #tpu.memory_space<vmem>> -> memref<1024x32xf32, #tpu.memory_space<vmem>>
    %dma_start3A_213 = arith.constant 5120 : i32
    %dma_start3A_214 = tpu.memref_slice %arg5[%dma_start3A_213] : memref<10240xi32, #tpu.memory_space<vmem>> -> memref<1024xi32, #tpu.memory_space<vmem>>
    %dma_start3A_215 = arith.constant 0 : i32
    %dma_start3A_216 = arith.constant 0 : i32
    %dma_start3A_217 = tpu.memref_slice %arg3[%dma_start3A_215, %dma_start3A_216] : memref<1000000x32xf32, #tpu.memory_space<hbm>> -> memref<1000000x32xf32, #tpu.memory_space<hbm>>
    %dma_start3A_218 = tpu.memref_slice %arg7[%dma_start3A_208] : memref<3x!tpu.dma_semaphore, #tpu.memory_space<semaphore_mem>> -> memref<1x!tpu.dma_semaphore, #tpu.memory_space<semaphore_mem>>
    %dma_start3A_219 = tpu.memref_squeeze %dma_start3A_218 : memref<1x!tpu.dma_semaphore, #tpu.memory_space<semaphore_mem>> -> memref<!tpu.dma_semaphore, #tpu.memory_space<semaphore_mem>>
    tpu.enqueue_indirect_dma source(%dma_start3A_217 : memref<1000000x32xf32, #tpu.memory_space<hbm>>) target(%dma_start3A_212 : memref<1024x32xf32, #tpu.memory_space<vmem>>) offsets(%dma_start3A_214 : memref<1024xi32, #tpu.memory_space<vmem>>) semaphore(%dma_start3A_219 : memref<!tpu.dma_semaphore, #tpu.memory_space<semaphore_mem>>)
    %dma_wait3A_220 = arith.constant 0 : i32
    %dma_wait3A_221 = arith.constant 0 : i32
    %dma_wait3A_222 = arith.constant 0 : i32
    %dma_wait3A_223 = arith.constant 0 : i32
    %dma_wait3A_224 = tpu.memref_slice %arg6[%dma_wait3A_220, %dma_wait3A_222, %dma_wait3A_223] : memref<3x1024x32xf32, #tpu.memory_space<vmem>> -> memref<1x1024x32xf32, #tpu.memory_space<vmem>>
    %dma_wait3A_225 = tpu.memref_squeeze %dma_wait3A_224 : memref<1x1024x32xf32, #tpu.memory_space<vmem>> -> memref<1024x32xf32, #tpu.memory_space<vmem>>
    %dma_wait3A_226 = arith.constant 3072 : i32
    %dma_wait3A_227 = tpu.memref_slice %arg5[%dma_wait3A_226] : memref<10240xi32, #tpu.memory_space<vmem>> -> memref<1024xi32, #tpu.memory_space<vmem>>
    %dma_wait3A_228 = arith.constant 0 : i32
    %dma_wait3A_229 = arith.constant 0 : i32
    %dma_wait3A_230 = tpu.memref_slice %arg3[%dma_wait3A_228, %dma_wait3A_229] : memref<1000000x32xf32, #tpu.memory_space<hbm>> -> memref<1000000x32xf32, #tpu.memory_space<hbm>>
    %dma_wait3A_231 = tpu.memref_slice %arg7[%dma_wait3A_221] : memref<3x!tpu.dma_semaphore, #tpu.memory_space<semaphore_mem>> -> memref<1x!tpu.dma_semaphore, #tpu.memory_space<semaphore_mem>>
    %dma_wait3A_232 = tpu.memref_squeeze %dma_wait3A_231 : memref<1x!tpu.dma_semaphore, #tpu.memory_space<semaphore_mem>> -> memref<!tpu.dma_semaphore, #tpu.memory_space<semaphore_mem>>
    tpu.wait_indirect_dma semaphore(%dma_wait3A_232 : memref<!tpu.dma_semaphore, #tpu.memory_space<semaphore_mem>>) src(%dma_wait3A_230 : memref<1000000x32xf32, #tpu.memory_space<hbm>>) dst(%dma_wait3A_225 : memref<1024x32xf32, #tpu.memory_space<vmem>>)
    %add3A_233 = arith.constant 3072 : i32
    %add3A_234 = arith.addi %mul3A_2, %add3A_233 : i32
    %dma_start3A_235 = arith.constant 0 : i32
    %dma_start3A_236 = arith.constant 0 : i32
    %dma_start3A_237 = arith.constant 0 : i32
    %dma_start3A_238 = arith.constant 0 : i32
    %dma_start3A_239 = tpu.memref_slice %arg6[%dma_start3A_235, %dma_start3A_237, %dma_start3A_238] : memref<3x1024x32xf32, #tpu.memory_space<vmem>> -> memref<1x1024x32xf32, #tpu.memory_space<vmem>>
    %dma_start3A_240 = tpu.memref_squeeze %dma_start3A_239 : memref<1x1024x32xf32, #tpu.memory_space<vmem>> -> memref<1024x32xf32, #tpu.memory_space<vmem>>
    %dma_start3A_241 = arith.constant 0 : i32
    %dma_start3A_242 = tpu.memref_slice %arg4[%add3A_234, %dma_start3A_241] : memref<327680x32xf32, #tpu.memory_space<hbm>> -> memref<1024x32xf32, #tpu.memory_space<hbm>>
    %dma_start3A_243 = tpu.memref_slice %arg8[%dma_start3A_236] : memref<3x!tpu.dma_semaphore, #tpu.memory_space<semaphore_mem>> -> memref<1x!tpu.dma_semaphore, #tpu.memory_space<semaphore_mem>>
    %dma_start3A_244 = tpu.memref_squeeze %dma_start3A_243 : memref<1x!tpu.dma_semaphore, #tpu.memory_space<semaphore_mem>> -> memref<!tpu.dma_semaphore, #tpu.memory_space<semaphore_mem>>
    %dma_start3A_245 = arith.constant 0 : i32
    %dma_start3A_246 = tpu.memref_slice %arg4[%add3A_234, %dma_start3A_245] : memref<327680x32xf32, #tpu.memory_space<hbm>> -> memref<1024x32xf32, #tpu.memory_space<hbm>>
    %dma_start3A_247 = arith.constant 0 : i32
    %dma_start3A_248 = arith.constant 0 : i32
    %dma_start3A_249 = tpu.memref_slice %arg6[%dma_start3A_235, %dma_start3A_247, %dma_start3A_248] : memref<3x1024x32xf32, #tpu.memory_space<vmem>> -> memref<1x1024x32xf32, #tpu.memory_space<vmem>>
    %dma_start3A_250 = tpu.memref_squeeze %dma_start3A_249 : memref<1x1024x32xf32, #tpu.memory_space<vmem>> -> memref<1024x32xf32, #tpu.memory_space<vmem>>
    tpu.enqueue_dma source(%dma_start3A_250 : memref<1024x32xf32, #tpu.memory_space<vmem>>) target(%dma_start3A_246 : memref<1024x32xf32, #tpu.memory_space<hbm>>) target_semaphore(%dma_start3A_244 : memref<!tpu.dma_semaphore, #tpu.memory_space<semaphore_mem>>)
    %dma_wait3A_251 = arith.constant 0 : i32
    %dma_wait3A_252 = arith.constant 0 : i32
    %dma_wait3A_253 = arith.constant 0 : i32
    %dma_wait3A_254 = arith.constant 0 : i32
    %dma_wait3A_255 = tpu.memref_slice %arg6[%dma_wait3A_251, %dma_wait3A_253, %dma_wait3A_254] : memref<3x1024x32xf32, #tpu.memory_space<vmem>> -> memref<1x1024x32xf32, #tpu.memory_space<vmem>>
    %dma_wait3A_256 = tpu.memref_squeeze %dma_wait3A_255 : memref<1x1024x32xf32, #tpu.memory_space<vmem>> -> memref<1024x32xf32, #tpu.memory_space<vmem>>
    %dma_wait3A_257 = arith.constant 0 : i32
    %dma_wait3A_258 = tpu.memref_slice %arg4[%add3A_234, %dma_wait3A_257] : memref<327680x32xf32, #tpu.memory_space<hbm>> -> memref<1024x32xf32, #tpu.memory_space<hbm>>
    %dma_wait3A_259 = tpu.memref_slice %arg8[%dma_wait3A_252] : memref<3x!tpu.dma_semaphore, #tpu.memory_space<semaphore_mem>> -> memref<1x!tpu.dma_semaphore, #tpu.memory_space<semaphore_mem>>
    %dma_wait3A_260 = tpu.memref_squeeze %dma_wait3A_259 : memref<1x!tpu.dma_semaphore, #tpu.memory_space<semaphore_mem>> -> memref<!tpu.dma_semaphore, #tpu.memory_space<semaphore_mem>>
    %dma_wait3A_261 = arith.constant 0 : i32
    %dma_wait3A_262 = tpu.memref_slice %arg4[%add3A_234, %dma_wait3A_261] : memref<327680x32xf32, #tpu.memory_space<hbm>> -> memref<1024x32xf32, #tpu.memory_space<hbm>>
    %dma_wait3A_263 = arith.constant 0 : i32
    %dma_wait3A_264 = arith.constant 0 : i32
    %dma_wait3A_265 = tpu.memref_slice %arg6[%dma_wait3A_251, %dma_wait3A_263, %dma_wait3A_264] : memref<3x1024x32xf32, #tpu.memory_space<vmem>> -> memref<1x1024x32xf32, #tpu.memory_space<vmem>>
    %dma_wait3A_266 = tpu.memref_squeeze %dma_wait3A_265 : memref<1x1024x32xf32, #tpu.memory_space<vmem>> -> memref<1024x32xf32, #tpu.memory_space<vmem>>
    tpu.wait_dma2 semaphore(%dma_wait3A_260 : memref<!tpu.dma_semaphore, #tpu.memory_space<semaphore_mem>>) src(%dma_wait3A_266 : memref<1024x32xf32, #tpu.memory_space<vmem>>) dst(%dma_wait3A_262 : memref<1024x32xf32, #tpu.memory_space<hbm>>)
    %dma_start3A_267 = arith.constant 0 : i32
    %dma_start3A_268 = arith.constant 0 : i32
    %dma_start3A_269 = arith.constant 0 : i32
    %dma_start3A_270 = arith.constant 0 : i32
    %dma_start3A_271 = tpu.memref_slice %arg6[%dma_start3A_267, %dma_start3A_269, %dma_start3A_270] : memref<3x1024x32xf32, #tpu.memory_space<vmem>> -> memref<1x1024x32xf32, #tpu.memory_space<vmem>>
    %dma_start3A_272 = tpu.memref_squeeze %dma_start3A_271 : memref<1x1024x32xf32, #tpu.memory_space<vmem>> -> memref<1024x32xf32, #tpu.memory_space<vmem>>
    %dma_start3A_273 = arith.constant 6144 : i32
    %dma_start3A_274 = tpu.memref_slice %arg5[%dma_start3A_273] : memref<10240xi32, #tpu.memory_space<vmem>> -> memref<1024xi32, #tpu.memory_space<vmem>>
    %dma_start3A_275 = arith.constant 0 : i32
    %dma_start3A_276 = arith.constant 0 : i32
    %dma_start3A_277 = tpu.memref_slice %arg3[%dma_start3A_275, %dma_start3A_276] : memref<1000000x32xf32, #tpu.memory_space<hbm>> -> memref<1000000x32xf32, #tpu.memory_space<hbm>>
    %dma_start3A_278 = tpu.memref_slice %arg7[%dma_start3A_268] : memref<3x!tpu.dma_semaphore, #tpu.memory_space<semaphore_mem>> -> memref<1x!tpu.dma_semaphore, #tpu.memory_space<semaphore_mem>>
    %dma_start3A_279 = tpu.memref_squeeze %dma_start3A_278 : memref<1x!tpu.dma_semaphore, #tpu.memory_space<semaphore_mem>> -> memref<!tpu.dma_semaphore, #tpu.memory_space<semaphore_mem>>
    tpu.enqueue_indirect_dma source(%dma_start3A_277 : memref<1000000x32xf32, #tpu.memory_space<hbm>>) target(%dma_start3A_272 : memref<1024x32xf32, #tpu.memory_space<vmem>>) offsets(%dma_start3A_274 : memref<1024xi32, #tpu.memory_space<vmem>>) semaphore(%dma_start3A_279 : memref<!tpu.dma_semaphore, #tpu.memory_space<semaphore_mem>>)
    %dma_wait3A_280 = arith.constant 1 : i32
    %dma_wait3A_281 = arith.constant 1 : i32
    %dma_wait3A_282 = arith.constant 0 : i32
    %dma_wait3A_283 = arith.constant 0 : i32
    %dma_wait3A_284 = tpu.memref_slice %arg6[%dma_wait3A_280, %dma_wait3A_282, %dma_wait3A_283] : memref<3x1024x32xf32, #tpu.memory_space<vmem>> -> memref<1x1024x32xf32, #tpu.memory_space<vmem>>
    %dma_wait3A_285 = tpu.memref_squeeze %dma_wait3A_284 : memref<1x1024x32xf32, #tpu.memory_space<vmem>> -> memref<1024x32xf32, #tpu.memory_space<vmem>>
    %dma_wait3A_286 = arith.constant 4096 : i32
    %dma_wait3A_287 = tpu.memref_slice %arg5[%dma_wait3A_286] : memref<10240xi32, #tpu.memory_space<vmem>> -> memref<1024xi32, #tpu.memory_space<vmem>>
    %dma_wait3A_288 = arith.constant 0 : i32
    %dma_wait3A_289 = arith.constant 0 : i32
    %dma_wait3A_290 = tpu.memref_slice %arg3[%dma_wait3A_288, %dma_wait3A_289] : memref<1000000x32xf32, #tpu.memory_space<hbm>> -> memref<1000000x32xf32, #tpu.memory_space<hbm>>
    %dma_wait3A_291 = tpu.memref_slice %arg7[%dma_wait3A_281] : memref<3x!tpu.dma_semaphore, #tpu.memory_space<semaphore_mem>> -> memref<1x!tpu.dma_semaphore, #tpu.memory_space<semaphore_mem>>
    %dma_wait3A_292 = tpu.memref_squeeze %dma_wait3A_291 : memref<1x!tpu.dma_semaphore, #tpu.memory_space<semaphore_mem>> -> memref<!tpu.dma_semaphore, #tpu.memory_space<semaphore_mem>>
    tpu.wait_indirect_dma semaphore(%dma_wait3A_292 : memref<!tpu.dma_semaphore, #tpu.memory_space<semaphore_mem>>) src(%dma_wait3A_290 : memref<1000000x32xf32, #tpu.memory_space<hbm>>) dst(%dma_wait3A_285 : memref<1024x32xf32, #tpu.memory_space<vmem>>)
    %add3A_293 = arith.constant 4096 : i32
    %add3A_294 = arith.addi %mul3A_2, %add3A_293 : i32
    %dma_start3A_295 = arith.constant 1 : i32
    %dma_start3A_296 = arith.constant 1 : i32
    %dma_start3A_297 = arith.constant 0 : i32
    %dma_start3A_298 = arith.constant 0 : i32
    %dma_start3A_299 = tpu.memref_slice %arg6[%dma_start3A_295, %dma_start3A_297, %dma_start3A_298] : memref<3x1024x32xf32, #tpu.memory_space<vmem>> -> memref<1x1024x32xf32, #tpu.memory_space<vmem>>
    %dma_start3A_300 = tpu.memref_squeeze %dma_start3A_299 : memref<1x1024x32xf32, #tpu.memory_space<vmem>> -> memref<1024x32xf32, #tpu.memory_space<vmem>>
    %dma_start3A_301 = arith.constant 0 : i32
    %dma_start3A_302 = tpu.memref_slice %arg4[%add3A_294, %dma_start3A_301] : memref<327680x32xf32, #tpu.memory_space<hbm>> -> memref<1024x32xf32, #tpu.memory_space<hbm>>
    %dma_start3A_303 = tpu.memref_slice %arg8[%dma_start3A_296] : memref<3x!tpu.dma_semaphore, #tpu.memory_space<semaphore_mem>> -> memref<1x!tpu.dma_semaphore, #tpu.memory_space<semaphore_mem>>
    %dma_start3A_304 = tpu.memref_squeeze %dma_start3A_303 : memref<1x!tpu.dma_semaphore, #tpu.memory_space<semaphore_mem>> -> memref<!tpu.dma_semaphore, #tpu.memory_space<semaphore_mem>>
    %dma_start3A_305 = arith.constant 0 : i32
    %dma_start3A_306 = tpu.memref_slice %arg4[%add3A_294, %dma_start3A_305] : memref<327680x32xf32, #tpu.memory_space<hbm>> -> memref<1024x32xf32, #tpu.memory_space<hbm>>
    %dma_start3A_307 = arith.constant 0 : i32
    %dma_start3A_308 = arith.constant 0 : i32
    %dma_start3A_309 = tpu.memref_slice %arg6[%dma_start3A_295, %dma_start3A_307, %dma_start3A_308] : memref<3x1024x32xf32, #tpu.memory_space<vmem>> -> memref<1x1024x32xf32, #tpu.memory_space<vmem>>
    %dma_start3A_310 = tpu.memref_squeeze %dma_start3A_309 : memref<1x1024x32xf32, #tpu.memory_space<vmem>> -> memref<1024x32xf32, #tpu.memory_space<vmem>>
    tpu.enqueue_dma source(%dma_start3A_310 : memref<1024x32xf32, #tpu.memory_space<vmem>>) target(%dma_start3A_306 : memref<1024x32xf32, #tpu.memory_space<hbm>>) target_semaphore(%dma_start3A_304 : memref<!tpu.dma_semaphore, #tpu.memory_space<semaphore_mem>>)
    %dma_wait3A_311 = arith.constant 1 : i32
    %dma_wait3A_312 = arith.constant 1 : i32
    %dma_wait3A_313 = arith.constant 0 : i32
    %dma_wait3A_314 = arith.constant 0 : i32
    %dma_wait3A_315 = tpu.memref_slice %arg6[%dma_wait3A_311, %dma_wait3A_313, %dma_wait3A_314] : memref<3x1024x32xf32, #tpu.memory_space<vmem>> -> memref<1x1024x32xf32, #tpu.memory_space<vmem>>
    %dma_wait3A_316 = tpu.memref_squeeze %dma_wait3A_315 : memref<1x1024x32xf32, #tpu.memory_space<vmem>> -> memref<1024x32xf32, #tpu.memory_space<vmem>>
    %dma_wait3A_317 = arith.constant 0 : i32
    %dma_wait3A_318 = tpu.memref_slice %arg4[%add3A_294, %dma_wait3A_317] : memref<327680x32xf32, #tpu.memory_space<hbm>> -> memref<1024x32xf32, #tpu.memory_space<hbm>>
    %dma_wait3A_319 = tpu.memref_slice %arg8[%dma_wait3A_312] : memref<3x!tpu.dma_semaphore, #tpu.memory_space<semaphore_mem>> -> memref<1x!tpu.dma_semaphore, #tpu.memory_space<semaphore_mem>>
    %dma_wait3A_320 = tpu.memref_squeeze %dma_wait3A_319 : memref<1x!tpu.dma_semaphore, #tpu.memory_space<semaphore_mem>> -> memref<!tpu.dma_semaphore, #tpu.memory_space<semaphore_mem>>
    %dma_wait3A_321 = arith.constant 0 : i32
    %dma_wait3A_322 = tpu.memref_slice %arg4[%add3A_294, %dma_wait3A_321] : memref<327680x32xf32, #tpu.memory_space<hbm>> -> memref<1024x32xf32, #tpu.memory_space<hbm>>
    %dma_wait3A_323 = arith.constant 0 : i32
    %dma_wait3A_324 = arith.constant 0 : i32
    %dma_wait3A_325 = tpu.memref_slice %arg6[%dma_wait3A_311, %dma_wait3A_323, %dma_wait3A_324] : memref<3x1024x32xf32, #tpu.memory_space<vmem>> -> memref<1x1024x32xf32, #tpu.memory_space<vmem>>
    %dma_wait3A_326 = tpu.memref_squeeze %dma_wait3A_325 : memref<1x1024x32xf32, #tpu.memory_space<vmem>> -> memref<1024x32xf32, #tpu.memory_space<vmem>>
    tpu.wait_dma2 semaphore(%dma_wait3A_320 : memref<!tpu.dma_semaphore, #tpu.memory_space<semaphore_mem>>) src(%dma_wait3A_326 : memref<1024x32xf32, #tpu.memory_space<vmem>>) dst(%dma_wait3A_322 : memref<1024x32xf32, #tpu.memory_space<hbm>>)
    %dma_start3A_327 = arith.constant 1 : i32
    %dma_start3A_328 = arith.constant 1 : i32
    %dma_start3A_329 = arith.constant 0 : i32
    %dma_start3A_330 = arith.constant 0 : i32
    %dma_start3A_331 = tpu.memref_slice %arg6[%dma_start3A_327, %dma_start3A_329, %dma_start3A_330] : memref<3x1024x32xf32, #tpu.memory_space<vmem>> -> memref<1x1024x32xf32, #tpu.memory_space<vmem>>
    %dma_start3A_332 = tpu.memref_squeeze %dma_start3A_331 : memref<1x1024x32xf32, #tpu.memory_space<vmem>> -> memref<1024x32xf32, #tpu.memory_space<vmem>>
    %dma_start3A_333 = arith.constant 7168 : i32
    %dma_start3A_334 = tpu.memref_slice %arg5[%dma_start3A_333] : memref<10240xi32, #tpu.memory_space<vmem>> -> memref<1024xi32, #tpu.memory_space<vmem>>
    %dma_start3A_335 = arith.constant 0 : i32
    %dma_start3A_336 = arith.constant 0 : i32
    %dma_start3A_337 = tpu.memref_slice %arg3[%dma_start3A_335, %dma_start3A_336] : memref<1000000x32xf32, #tpu.memory_space<hbm>> -> memref<1000000x32xf32, #tpu.memory_space<hbm>>
    %dma_start3A_338 = tpu.memref_slice %arg7[%dma_start3A_328] : memref<3x!tpu.dma_semaphore, #tpu.memory_space<semaphore_mem>> -> memref<1x!tpu.dma_semaphore, #tpu.memory_space<semaphore_mem>>
    %dma_start3A_339 = tpu.memref_squeeze %dma_start3A_338 : memref<1x!tpu.dma_semaphore, #tpu.memory_space<semaphore_mem>> -> memref<!tpu.dma_semaphore, #tpu.memory_space<semaphore_mem>>
    tpu.enqueue_indirect_dma source(%dma_start3A_337 : memref<1000000x32xf32, #tpu.memory_space<hbm>>) target(%dma_start3A_332 : memref<1024x32xf32, #tpu.memory_space<vmem>>) offsets(%dma_start3A_334 : memref<1024xi32, #tpu.memory_space<vmem>>) semaphore(%dma_start3A_339 : memref<!tpu.dma_semaphore, #tpu.memory_space<semaphore_mem>>)
    %dma_wait3A_340 = arith.constant 2 : i32
    %dma_wait3A_341 = arith.constant 2 : i32
    %dma_wait3A_342 = arith.constant 0 : i32
    %dma_wait3A_343 = arith.constant 0 : i32
    %dma_wait3A_344 = tpu.memref_slice %arg6[%dma_wait3A_340, %dma_wait3A_342, %dma_wait3A_343] : memref<3x1024x32xf32, #tpu.memory_space<vmem>> -> memref<1x1024x32xf32, #tpu.memory_space<vmem>>
    %dma_wait3A_345 = tpu.memref_squeeze %dma_wait3A_344 : memref<1x1024x32xf32, #tpu.memory_space<vmem>> -> memref<1024x32xf32, #tpu.memory_space<vmem>>
    %dma_wait3A_346 = arith.constant 5120 : i32
    %dma_wait3A_347 = tpu.memref_slice %arg5[%dma_wait3A_346] : memref<10240xi32, #tpu.memory_space<vmem>> -> memref<1024xi32, #tpu.memory_space<vmem>>
    %dma_wait3A_348 = arith.constant 0 : i32
    %dma_wait3A_349 = arith.constant 0 : i32
    %dma_wait3A_350 = tpu.memref_slice %arg3[%dma_wait3A_348, %dma_wait3A_349] : memref<1000000x32xf32, #tpu.memory_space<hbm>> -> memref<1000000x32xf32, #tpu.memory_space<hbm>>
    %dma_wait3A_351 = tpu.memref_slice %arg7[%dma_wait3A_341] : memref<3x!tpu.dma_semaphore, #tpu.memory_space<semaphore_mem>> -> memref<1x!tpu.dma_semaphore, #tpu.memory_space<semaphore_mem>>
    %dma_wait3A_352 = tpu.memref_squeeze %dma_wait3A_351 : memref<1x!tpu.dma_semaphore, #tpu.memory_space<semaphore_mem>> -> memref<!tpu.dma_semaphore, #tpu.memory_space<semaphore_mem>>
    tpu.wait_indirect_dma semaphore(%dma_wait3A_352 : memref<!tpu.dma_semaphore, #tpu.memory_space<semaphore_mem>>) src(%dma_wait3A_350 : memref<1000000x32xf32, #tpu.memory_space<hbm>>) dst(%dma_wait3A_345 : memref<1024x32xf32, #tpu.memory_space<vmem>>)
    %add3A_353 = arith.constant 5120 : i32
    %add3A_354 = arith.addi %mul3A_2, %add3A_353 : i32
    %dma_start3A_355 = arith.constant 2 : i32
    %dma_start3A_356 = arith.constant 2 : i32
    %dma_start3A_357 = arith.constant 0 : i32
    %dma_start3A_358 = arith.constant 0 : i32
    %dma_start3A_359 = tpu.memref_slice %arg6[%dma_start3A_355, %dma_start3A_357, %dma_start3A_358] : memref<3x1024x32xf32, #tpu.memory_space<vmem>> -> memref<1x1024x32xf32, #tpu.memory_space<vmem>>
    %dma_start3A_360 = tpu.memref_squeeze %dma_start3A_359 : memref<1x1024x32xf32, #tpu.memory_space<vmem>> -> memref<1024x32xf32, #tpu.memory_space<vmem>>
    %dma_start3A_361 = arith.constant 0 : i32
    %dma_start3A_362 = tpu.memref_slice %arg4[%add3A_354, %dma_start3A_361] : memref<327680x32xf32, #tpu.memory_space<hbm>> -> memref<1024x32xf32, #tpu.memory_space<hbm>>
    %dma_start3A_363 = tpu.memref_slice %arg8[%dma_start3A_356] : memref<3x!tpu.dma_semaphore, #tpu.memory_space<semaphore_mem>> -> memref<1x!tpu.dma_semaphore, #tpu.memory_space<semaphore_mem>>
    %dma_start3A_364 = tpu.memref_squeeze %dma_start3A_363 : memref<1x!tpu.dma_semaphore, #tpu.memory_space<semaphore_mem>> -> memref<!tpu.dma_semaphore, #tpu.memory_space<semaphore_mem>>
    %dma_start3A_365 = arith.constant 0 : i32
    %dma_start3A_366 = tpu.memref_slice %arg4[%add3A_354, %dma_start3A_365] : memref<327680x32xf32, #tpu.memory_space<hbm>> -> memref<1024x32xf32, #tpu.memory_space<hbm>>
    %dma_start3A_367 = arith.constant 0 : i32
    %dma_start3A_368 = arith.constant 0 : i32
    %dma_start3A_369 = tpu.memref_slice %arg6[%dma_start3A_355, %dma_start3A_367, %dma_start3A_368] : memref<3x1024x32xf32, #tpu.memory_space<vmem>> -> memref<1x1024x32xf32, #tpu.memory_space<vmem>>
    %dma_start3A_370 = tpu.memref_squeeze %dma_start3A_369 : memref<1x1024x32xf32, #tpu.memory_space<vmem>> -> memref<1024x32xf32, #tpu.memory_space<vmem>>
    tpu.enqueue_dma source(%dma_start3A_370 : memref<1024x32xf32, #tpu.memory_space<vmem>>) target(%dma_start3A_366 : memref<1024x32xf32, #tpu.memory_space<hbm>>) target_semaphore(%dma_start3A_364 : memref<!tpu.dma_semaphore, #tpu.memory_space<semaphore_mem>>)
    %dma_wait3A_371 = arith.constant 2 : i32
    %dma_wait3A_372 = arith.constant 2 : i32
    %dma_wait3A_373 = arith.constant 0 : i32
    %dma_wait3A_374 = arith.constant 0 : i32
    %dma_wait3A_375 = tpu.memref_slice %arg6[%dma_wait3A_371, %dma_wait3A_373, %dma_wait3A_374] : memref<3x1024x32xf32, #tpu.memory_space<vmem>> -> memref<1x1024x32xf32, #tpu.memory_space<vmem>>
    %dma_wait3A_376 = tpu.memref_squeeze %dma_wait3A_375 : memref<1x1024x32xf32, #tpu.memory_space<vmem>> -> memref<1024x32xf32, #tpu.memory_space<vmem>>
    %dma_wait3A_377 = arith.constant 0 : i32
    %dma_wait3A_378 = tpu.memref_slice %arg4[%add3A_354, %dma_wait3A_377] : memref<327680x32xf32, #tpu.memory_space<hbm>> -> memref<1024x32xf32, #tpu.memory_space<hbm>>
    %dma_wait3A_379 = tpu.memref_slice %arg8[%dma_wait3A_372] : memref<3x!tpu.dma_semaphore, #tpu.memory_space<semaphore_mem>> -> memref<1x!tpu.dma_semaphore, #tpu.memory_space<semaphore_mem>>
    %dma_wait3A_380 = tpu.memref_squeeze %dma_wait3A_379 : memref<1x!tpu.dma_semaphore, #tpu.memory_space<semaphore_mem>> -> memref<!tpu.dma_semaphore, #tpu.memory_space<semaphore_mem>>
    %dma_wait3A_381 = arith.constant 0 : i32
    %dma_wait3A_382 = tpu.memref_slice %arg4[%add3A_354, %dma_wait3A_381] : memref<327680x32xf32, #tpu.memory_space<hbm>> -> memref<1024x32xf32, #tpu.memory_space<hbm>>
    %dma_wait3A_383 = arith.constant 0 : i32
    %dma_wait3A_384 = arith.constant 0 : i32
    %dma_wait3A_385 = tpu.memref_slice %arg6[%dma_wait3A_371, %dma_wait3A_383, %dma_wait3A_384] : memref<3x1024x32xf32, #tpu.memory_space<vmem>> -> memref<1x1024x32xf32, #tpu.memory_space<vmem>>
    %dma_wait3A_386 = tpu.memref_squeeze %dma_wait3A_385 : memref<1x1024x32xf32, #tpu.memory_space<vmem>> -> memref<1024x32xf32, #tpu.memory_space<vmem>>
    tpu.wait_dma2 semaphore(%dma_wait3A_380 : memref<!tpu.dma_semaphore, #tpu.memory_space<semaphore_mem>>) src(%dma_wait3A_386 : memref<1024x32xf32, #tpu.memory_space<vmem>>) dst(%dma_wait3A_382 : memref<1024x32xf32, #tpu.memory_space<hbm>>)
    %dma_start3A_387 = arith.constant 2 : i32
    %dma_start3A_388 = arith.constant 2 : i32
    %dma_start3A_389 = arith.constant 0 : i32
    %dma_start3A_390 = arith.constant 0 : i32
    %dma_start3A_391 = tpu.memref_slice %arg6[%dma_start3A_387, %dma_start3A_389, %dma_start3A_390] : memref<3x1024x32xf32, #tpu.memory_space<vmem>> -> memref<1x1024x32xf32, #tpu.memory_space<vmem>>
    %dma_start3A_392 = tpu.memref_squeeze %dma_start3A_391 : memref<1x1024x32xf32, #tpu.memory_space<vmem>> -> memref<1024x32xf32, #tpu.memory_space<vmem>>
    %dma_start3A_393 = arith.constant 8192 : i32
    %dma_start3A_394 = tpu.memref_slice %arg5[%dma_start3A_393] : memref<10240xi32, #tpu.memory_space<vmem>> -> memref<1024xi32, #tpu.memory_space<vmem>>
    %dma_start3A_395 = arith.constant 0 : i32
    %dma_start3A_396 = arith.constant 0 : i32
    %dma_start3A_397 = tpu.memref_slice %arg3[%dma_start3A_395, %dma_start3A_396] : memref<1000000x32xf32, #tpu.memory_space<hbm>> -> memref<1000000x32xf32, #tpu.memory_space<hbm>>
    %dma_start3A_398 = tpu.memref_slice %arg7[%dma_start3A_388] : memref<3x!tpu.dma_semaphore, #tpu.memory_space<semaphore_mem>> -> memref<1x!tpu.dma_semaphore, #tpu.memory_space<semaphore_mem>>
    %dma_start3A_399 = tpu.memref_squeeze %dma_start3A_398 : memref<1x!tpu.dma_semaphore, #tpu.memory_space<semaphore_mem>> -> memref<!tpu.dma_semaphore, #tpu.memory_space<semaphore_mem>>
    tpu.enqueue_indirect_dma source(%dma_start3A_397 : memref<1000000x32xf32, #tpu.memory_space<hbm>>) target(%dma_start3A_392 : memref<1024x32xf32, #tpu.memory_space<vmem>>) offsets(%dma_start3A_394 : memref<1024xi32, #tpu.memory_space<vmem>>) semaphore(%dma_start3A_399 : memref<!tpu.dma_semaphore, #tpu.memory_space<semaphore_mem>>)
    %dma_wait3A_400 = arith.constant 0 : i32
    %dma_wait3A_401 = arith.constant 0 : i32
    %dma_wait3A_402 = arith.constant 0 : i32
    %dma_wait3A_403 = arith.constant 0 : i32
    %dma_wait3A_404 = tpu.memref_slice %arg6[%dma_wait3A_400, %dma_wait3A_402, %dma_wait3A_403] : memref<3x1024x32xf32, #tpu.memory_space<vmem>> -> memref<1x1024x32xf32, #tpu.memory_space<vmem>>
    %dma_wait3A_405 = tpu.memref_squeeze %dma_wait3A_404 : memref<1x1024x32xf32, #tpu.memory_space<vmem>> -> memref<1024x32xf32, #tpu.memory_space<vmem>>
    %dma_wait3A_406 = arith.constant 6144 : i32
    %dma_wait3A_407 = tpu.memref_slice %arg5[%dma_wait3A_406] : memref<10240xi32, #tpu.memory_space<vmem>> -> memref<1024xi32, #tpu.memory_space<vmem>>
    %dma_wait3A_408 = arith.constant 0 : i32
    %dma_wait3A_409 = arith.constant 0 : i32
    %dma_wait3A_410 = tpu.memref_slice %arg3[%dma_wait3A_408, %dma_wait3A_409] : memref<1000000x32xf32, #tpu.memory_space<hbm>> -> memref<1000000x32xf32, #tpu.memory_space<hbm>>
    %dma_wait3A_411 = tpu.memref_slice %arg7[%dma_wait3A_401] : memref<3x!tpu.dma_semaphore, #tpu.memory_space<semaphore_mem>> -> memref<1x!tpu.dma_semaphore, #tpu.memory_space<semaphore_mem>>
    %dma_wait3A_412 = tpu.memref_squeeze %dma_wait3A_411 : memref<1x!tpu.dma_semaphore, #tpu.memory_space<semaphore_mem>> -> memref<!tpu.dma_semaphore, #tpu.memory_space<semaphore_mem>>
    tpu.wait_indirect_dma semaphore(%dma_wait3A_412 : memref<!tpu.dma_semaphore, #tpu.memory_space<semaphore_mem>>) src(%dma_wait3A_410 : memref<1000000x32xf32, #tpu.memory_space<hbm>>) dst(%dma_wait3A_405 : memref<1024x32xf32, #tpu.memory_space<vmem>>)
    %add3A_413 = arith.constant 6144 : i32
    %add3A_414 = arith.addi %mul3A_2, %add3A_413 : i32
    %dma_start3A_415 = arith.constant 0 : i32
    %dma_start3A_416 = arith.constant 0 : i32
    %dma_start3A_417 = arith.constant 0 : i32
    %dma_start3A_418 = arith.constant 0 : i32
    %dma_start3A_419 = tpu.memref_slice %arg6[%dma_start3A_415, %dma_start3A_417, %dma_start3A_418] : memref<3x1024x32xf32, #tpu.memory_space<vmem>> -> memref<1x1024x32xf32, #tpu.memory_space<vmem>>
    %dma_start3A_420 = tpu.memref_squeeze %dma_start3A_419 : memref<1x1024x32xf32, #tpu.memory_space<vmem>> -> memref<1024x32xf32, #tpu.memory_space<vmem>>
    %dma_start3A_421 = arith.constant 0 : i32
    %dma_start3A_422 = tpu.memref_slice %arg4[%add3A_414, %dma_start3A_421] : memref<327680x32xf32, #tpu.memory_space<hbm>> -> memref<1024x32xf32, #tpu.memory_space<hbm>>
    %dma_start3A_423 = tpu.memref_slice %arg8[%dma_start3A_416] : memref<3x!tpu.dma_semaphore, #tpu.memory_space<semaphore_mem>> -> memref<1x!tpu.dma_semaphore, #tpu.memory_space<semaphore_mem>>
    %dma_start3A_424 = tpu.memref_squeeze %dma_start3A_423 : memref<1x!tpu.dma_semaphore, #tpu.memory_space<semaphore_mem>> -> memref<!tpu.dma_semaphore, #tpu.memory_space<semaphore_mem>>
    %dma_start3A_425 = arith.constant 0 : i32
    %dma_start3A_426 = tpu.memref_slice %arg4[%add3A_414, %dma_start3A_425] : memref<327680x32xf32, #tpu.memory_space<hbm>> -> memref<1024x32xf32, #tpu.memory_space<hbm>>
    %dma_start3A_427 = arith.constant 0 : i32
    %dma_start3A_428 = arith.constant 0 : i32
    %dma_start3A_429 = tpu.memref_slice %arg6[%dma_start3A_415, %dma_start3A_427, %dma_start3A_428] : memref<3x1024x32xf32, #tpu.memory_space<vmem>> -> memref<1x1024x32xf32, #tpu.memory_space<vmem>>
    %dma_start3A_430 = tpu.memref_squeeze %dma_start3A_429 : memref<1x1024x32xf32, #tpu.memory_space<vmem>> -> memref<1024x32xf32, #tpu.memory_space<vmem>>
    tpu.enqueue_dma source(%dma_start3A_430 : memref<1024x32xf32, #tpu.memory_space<vmem>>) target(%dma_start3A_426 : memref<1024x32xf32, #tpu.memory_space<hbm>>) target_semaphore(%dma_start3A_424 : memref<!tpu.dma_semaphore, #tpu.memory_space<semaphore_mem>>)
    %dma_wait3A_431 = arith.constant 0 : i32
    %dma_wait3A_432 = arith.constant 0 : i32
    %dma_wait3A_433 = arith.constant 0 : i32
    %dma_wait3A_434 = arith.constant 0 : i32
    %dma_wait3A_435 = tpu.memref_slice %arg6[%dma_wait3A_431, %dma_wait3A_433, %dma_wait3A_434] : memref<3x1024x32xf32, #tpu.memory_space<vmem>> -> memref<1x1024x32xf32, #tpu.memory_space<vmem>>
    %dma_wait3A_436 = tpu.memref_squeeze %dma_wait3A_435 : memref<1x1024x32xf32, #tpu.memory_space<vmem>> -> memref<1024x32xf32, #tpu.memory_space<vmem>>
    %dma_wait3A_437 = arith.constant 0 : i32
    %dma_wait3A_438 = tpu.memref_slice %arg4[%add3A_414, %dma_wait3A_437] : memref<327680x32xf32, #tpu.memory_space<hbm>> -> memref<1024x32xf32, #tpu.memory_space<hbm>>
    %dma_wait3A_439 = tpu.memref_slice %arg8[%dma_wait3A_432] : memref<3x!tpu.dma_semaphore, #tpu.memory_space<semaphore_mem>> -> memref<1x!tpu.dma_semaphore, #tpu.memory_space<semaphore_mem>>
    %dma_wait3A_440 = tpu.memref_squeeze %dma_wait3A_439 : memref<1x!tpu.dma_semaphore, #tpu.memory_space<semaphore_mem>> -> memref<!tpu.dma_semaphore, #tpu.memory_space<semaphore_mem>>
    %dma_wait3A_441 = arith.constant 0 : i32
    %dma_wait3A_442 = tpu.memref_slice %arg4[%add3A_414, %dma_wait3A_441] : memref<327680x32xf32, #tpu.memory_space<hbm>> -> memref<1024x32xf32, #tpu.memory_space<hbm>>
    %dma_wait3A_443 = arith.constant 0 : i32
    %dma_wait3A_444 = arith.constant 0 : i32
    %dma_wait3A_445 = tpu.memref_slice %arg6[%dma_wait3A_431, %dma_wait3A_443, %dma_wait3A_444] : memref<3x1024x32xf32, #tpu.memory_space<vmem>> -> memref<1x1024x32xf32, #tpu.memory_space<vmem>>
    %dma_wait3A_446 = tpu.memref_squeeze %dma_wait3A_445 : memref<1x1024x32xf32, #tpu.memory_space<vmem>> -> memref<1024x32xf32, #tpu.memory_space<vmem>>
    tpu.wait_dma2 semaphore(%dma_wait3A_440 : memref<!tpu.dma_semaphore, #tpu.memory_space<semaphore_mem>>) src(%dma_wait3A_446 : memref<1024x32xf32, #tpu.memory_space<vmem>>) dst(%dma_wait3A_442 : memref<1024x32xf32, #tpu.memory_space<hbm>>)
    %dma_start3A_447 = arith.constant 0 : i32
    %dma_start3A_448 = arith.constant 0 : i32
    %dma_start3A_449 = arith.constant 0 : i32
    %dma_start3A_450 = arith.constant 0 : i32
    %dma_start3A_451 = tpu.memref_slice %arg6[%dma_start3A_447, %dma_start3A_449, %dma_start3A_450] : memref<3x1024x32xf32, #tpu.memory_space<vmem>> -> memref<1x1024x32xf32, #tpu.memory_space<vmem>>
    %dma_start3A_452 = tpu.memref_squeeze %dma_start3A_451 : memref<1x1024x32xf32, #tpu.memory_space<vmem>> -> memref<1024x32xf32, #tpu.memory_space<vmem>>
    %dma_start3A_453 = arith.constant 9216 : i32
    %dma_start3A_454 = tpu.memref_slice %arg5[%dma_start3A_453] : memref<10240xi32, #tpu.memory_space<vmem>> -> memref<1024xi32, #tpu.memory_space<vmem>>
    %dma_start3A_455 = arith.constant 0 : i32
    %dma_start3A_456 = arith.constant 0 : i32
    %dma_start3A_457 = tpu.memref_slice %arg3[%dma_start3A_455, %dma_start3A_456] : memref<1000000x32xf32, #tpu.memory_space<hbm>> -> memref<1000000x32xf32, #tpu.memory_space<hbm>>
    %dma_start3A_458 = tpu.memref_slice %arg7[%dma_start3A_448] : memref<3x!tpu.dma_semaphore, #tpu.memory_space<semaphore_mem>> -> memref<1x!tpu.dma_semaphore, #tpu.memory_space<semaphore_mem>>
    %dma_start3A_459 = tpu.memref_squeeze %dma_start3A_458 : memref<1x!tpu.dma_semaphore, #tpu.memory_space<semaphore_mem>> -> memref<!tpu.dma_semaphore, #tpu.memory_space<semaphore_mem>>
    tpu.enqueue_indirect_dma source(%dma_start3A_457 : memref<1000000x32xf32, #tpu.memory_space<hbm>>) target(%dma_start3A_452 : memref<1024x32xf32, #tpu.memory_space<vmem>>) offsets(%dma_start3A_454 : memref<1024xi32, #tpu.memory_space<vmem>>) semaphore(%dma_start3A_459 : memref<!tpu.dma_semaphore, #tpu.memory_space<semaphore_mem>>)
    %dma_wait3A_460 = arith.constant 1 : i32
    %dma_wait3A_461 = arith.constant 1 : i32
    %dma_wait3A_462 = arith.constant 0 : i32
    %dma_wait3A_463 = arith.constant 0 : i32
    %dma_wait3A_464 = tpu.memref_slice %arg6[%dma_wait3A_460, %dma_wait3A_462, %dma_wait3A_463] : memref<3x1024x32xf32, #tpu.memory_space<vmem>> -> memref<1x1024x32xf32, #tpu.memory_space<vmem>>
    %dma_wait3A_465 = tpu.memref_squeeze %dma_wait3A_464 : memref<1x1024x32xf32, #tpu.memory_space<vmem>> -> memref<1024x32xf32, #tpu.memory_space<vmem>>
    %dma_wait3A_466 = arith.constant 7168 : i32
    %dma_wait3A_467 = tpu.memref_slice %arg5[%dma_wait3A_466] : memref<10240xi32, #tpu.memory_space<vmem>> -> memref<1024xi32, #tpu.memory_space<vmem>>
    %dma_wait3A_468 = arith.constant 0 : i32
    %dma_wait3A_469 = arith.constant 0 : i32
    %dma_wait3A_470 = tpu.memref_slice %arg3[%dma_wait3A_468, %dma_wait3A_469] : memref<1000000x32xf32, #tpu.memory_space<hbm>> -> memref<1000000x32xf32, #tpu.memory_space<hbm>>
    %dma_wait3A_471 = tpu.memref_slice %arg7[%dma_wait3A_461] : memref<3x!tpu.dma_semaphore, #tpu.memory_space<semaphore_mem>> -> memref<1x!tpu.dma_semaphore, #tpu.memory_space<semaphore_mem>>
    %dma_wait3A_472 = tpu.memref_squeeze %dma_wait3A_471 : memref<1x!tpu.dma_semaphore, #tpu.memory_space<semaphore_mem>> -> memref<!tpu.dma_semaphore, #tpu.memory_space<semaphore_mem>>
    tpu.wait_indirect_dma semaphore(%dma_wait3A_472 : memref<!tpu.dma_semaphore, #tpu.memory_space<semaphore_mem>>) src(%dma_wait3A_470 : memref<1000000x32xf32, #tpu.memory_space<hbm>>) dst(%dma_wait3A_465 : memref<1024x32xf32, #tpu.memory_space<vmem>>)
    %add3A_473 = arith.constant 7168 : i32
    %add3A_474 = arith.addi %mul3A_2, %add3A_473 : i32
    %dma_start3A_475 = arith.constant 1 : i32
    %dma_start3A_476 = arith.constant 1 : i32
    %dma_start3A_477 = arith.constant 0 : i32
    %dma_start3A_478 = arith.constant 0 : i32
    %dma_start3A_479 = tpu.memref_slice %arg6[%dma_start3A_475, %dma_start3A_477, %dma_start3A_478] : memref<3x1024x32xf32, #tpu.memory_space<vmem>> -> memref<1x1024x32xf32, #tpu.memory_space<vmem>>
    %dma_start3A_480 = tpu.memref_squeeze %dma_start3A_479 : memref<1x1024x32xf32, #tpu.memory_space<vmem>> -> memref<1024x32xf32, #tpu.memory_space<vmem>>
    %dma_start3A_481 = arith.constant 0 : i32
    %dma_start3A_482 = tpu.memref_slice %arg4[%add3A_474, %dma_start3A_481] : memref<327680x32xf32, #tpu.memory_space<hbm>> -> memref<1024x32xf32, #tpu.memory_space<hbm>>
    %dma_start3A_483 = tpu.memref_slice %arg8[%dma_start3A_476] : memref<3x!tpu.dma_semaphore, #tpu.memory_space<semaphore_mem>> -> memref<1x!tpu.dma_semaphore, #tpu.memory_space<semaphore_mem>>
    %dma_start3A_484 = tpu.memref_squeeze %dma_start3A_483 : memref<1x!tpu.dma_semaphore, #tpu.memory_space<semaphore_mem>> -> memref<!tpu.dma_semaphore, #tpu.memory_space<semaphore_mem>>
    %dma_start3A_485 = arith.constant 0 : i32
    %dma_start3A_486 = tpu.memref_slice %arg4[%add3A_474, %dma_start3A_485] : memref<327680x32xf32, #tpu.memory_space<hbm>> -> memref<1024x32xf32, #tpu.memory_space<hbm>>
    %dma_start3A_487 = arith.constant 0 : i32
    %dma_start3A_488 = arith.constant 0 : i32
    %dma_start3A_489 = tpu.memref_slice %arg6[%dma_start3A_475, %dma_start3A_487, %dma_start3A_488] : memref<3x1024x32xf32, #tpu.memory_space<vmem>> -> memref<1x1024x32xf32, #tpu.memory_space<vmem>>
    %dma_start3A_490 = tpu.memref_squeeze %dma_start3A_489 : memref<1x1024x32xf32, #tpu.memory_space<vmem>> -> memref<1024x32xf32, #tpu.memory_space<vmem>>
    tpu.enqueue_dma source(%dma_start3A_490 : memref<1024x32xf32, #tpu.memory_space<vmem>>) target(%dma_start3A_486 : memref<1024x32xf32, #tpu.memory_space<hbm>>) target_semaphore(%dma_start3A_484 : memref<!tpu.dma_semaphore, #tpu.memory_space<semaphore_mem>>)
    %dma_wait3A_491 = arith.constant 2 : i32
    %dma_wait3A_492 = arith.constant 2 : i32
    %dma_wait3A_493 = arith.constant 0 : i32
    %dma_wait3A_494 = arith.constant 0 : i32
    %dma_wait3A_495 = tpu.memref_slice %arg6[%dma_wait3A_491, %dma_wait3A_493, %dma_wait3A_494] : memref<3x1024x32xf32, #tpu.memory_space<vmem>> -> memref<1x1024x32xf32, #tpu.memory_space<vmem>>
    %dma_wait3A_496 = tpu.memref_squeeze %dma_wait3A_495 : memref<1x1024x32xf32, #tpu.memory_space<vmem>> -> memref<1024x32xf32, #tpu.memory_space<vmem>>
    %dma_wait3A_497 = arith.constant 8192 : i32
    %dma_wait3A_498 = tpu.memref_slice %arg5[%dma_wait3A_497] : memref<10240xi32, #tpu.memory_space<vmem>> -> memref<1024xi32, #tpu.memory_space<vmem>>
    %dma_wait3A_499 = arith.constant 0 : i32
    %dma_wait3A_500 = arith.constant 0 : i32
    %dma_wait3A_501 = tpu.memref_slice %arg3[%dma_wait3A_499, %dma_wait3A_500] : memref<1000000x32xf32, #tpu.memory_space<hbm>> -> memref<1000000x32xf32, #tpu.memory_space<hbm>>
    %dma_wait3A_502 = tpu.memref_slice %arg7[%dma_wait3A_492] : memref<3x!tpu.dma_semaphore, #tpu.memory_space<semaphore_mem>> -> memref<1x!tpu.dma_semaphore, #tpu.memory_space<semaphore_mem>>
    %dma_wait3A_503 = tpu.memref_squeeze %dma_wait3A_502 : memref<1x!tpu.dma_semaphore, #tpu.memory_space<semaphore_mem>> -> memref<!tpu.dma_semaphore, #tpu.memory_space<semaphore_mem>>
    tpu.wait_indirect_dma semaphore(%dma_wait3A_503 : memref<!tpu.dma_semaphore, #tpu.memory_space<semaphore_mem>>) src(%dma_wait3A_501 : memref<1000000x32xf32, #tpu.memory_space<hbm>>) dst(%dma_wait3A_496 : memref<1024x32xf32, #tpu.memory_space<vmem>>)
    %add3A_504 = arith.constant 8192 : i32
    %add3A_505 = arith.addi %mul3A_2, %add3A_504 : i32
    %dma_start3A_506 = arith.constant 2 : i32
    %dma_start3A_507 = arith.constant 2 : i32
    %dma_start3A_508 = arith.constant 0 : i32
    %dma_start3A_509 = arith.constant 0 : i32
    %dma_start3A_510 = tpu.memref_slice %arg6[%dma_start3A_506, %dma_start3A_508, %dma_start3A_509] : memref<3x1024x32xf32, #tpu.memory_space<vmem>> -> memref<1x1024x32xf32, #tpu.memory_space<vmem>>
    %dma_start3A_511 = tpu.memref_squeeze %dma_start3A_510 : memref<1x1024x32xf32, #tpu.memory_space<vmem>> -> memref<1024x32xf32, #tpu.memory_space<vmem>>
    %dma_start3A_512 = arith.constant 0 : i32
    %dma_start3A_513 = tpu.memref_slice %arg4[%add3A_505, %dma_start3A_512] : memref<327680x32xf32, #tpu.memory_space<hbm>> -> memref<1024x32xf32, #tpu.memory_space<hbm>>
    %dma_start3A_514 = tpu.memref_slice %arg8[%dma_start3A_507] : memref<3x!tpu.dma_semaphore, #tpu.memory_space<semaphore_mem>> -> memref<1x!tpu.dma_semaphore, #tpu.memory_space<semaphore_mem>>
    %dma_start3A_515 = tpu.memref_squeeze %dma_start3A_514 : memref<1x!tpu.dma_semaphore, #tpu.memory_space<semaphore_mem>> -> memref<!tpu.dma_semaphore, #tpu.memory_space<semaphore_mem>>
    %dma_start3A_516 = arith.constant 0 : i32
    %dma_start3A_517 = tpu.memref_slice %arg4[%add3A_505, %dma_start3A_516] : memref<327680x32xf32, #tpu.memory_space<hbm>> -> memref<1024x32xf32, #tpu.memory_space<hbm>>
    %dma_start3A_518 = arith.constant 0 : i32
    %dma_start3A_519 = arith.constant 0 : i32
    %dma_start3A_520 = tpu.memref_slice %arg6[%dma_start3A_506, %dma_start3A_518, %dma_start3A_519] : memref<3x1024x32xf32, #tpu.memory_space<vmem>> -> memref<1x1024x32xf32, #tpu.memory_space<vmem>>
    %dma_start3A_521 = tpu.memref_squeeze %dma_start3A_520 : memref<1x1024x32xf32, #tpu.memory_space<vmem>> -> memref<1024x32xf32, #tpu.memory_space<vmem>>
    tpu.enqueue_dma source(%dma_start3A_521 : memref<1024x32xf32, #tpu.memory_space<vmem>>) target(%dma_start3A_517 : memref<1024x32xf32, #tpu.memory_space<hbm>>) target_semaphore(%dma_start3A_515 : memref<!tpu.dma_semaphore, #tpu.memory_space<semaphore_mem>>)
    %dma_wait3A_522 = arith.constant 0 : i32
    %dma_wait3A_523 = arith.constant 0 : i32
    %dma_wait3A_524 = arith.constant 0 : i32
    %dma_wait3A_525 = arith.constant 0 : i32
    %dma_wait3A_526 = tpu.memref_slice %arg6[%dma_wait3A_522, %dma_wait3A_524, %dma_wait3A_525] : memref<3x1024x32xf32, #tpu.memory_space<vmem>> -> memref<1x1024x32xf32, #tpu.memory_space<vmem>>
    %dma_wait3A_527 = tpu.memref_squeeze %dma_wait3A_526 : memref<1x1024x32xf32, #tpu.memory_space<vmem>> -> memref<1024x32xf32, #tpu.memory_space<vmem>>
    %dma_wait3A_528 = arith.constant 9216 : i32
    %dma_wait3A_529 = tpu.memref_slice %arg5[%dma_wait3A_528] : memref<10240xi32, #tpu.memory_space<vmem>> -> memref<1024xi32, #tpu.memory_space<vmem>>
    %dma_wait3A_530 = arith.constant 0 : i32
    %dma_wait3A_531 = arith.constant 0 : i32
    %dma_wait3A_532 = tpu.memref_slice %arg3[%dma_wait3A_530, %dma_wait3A_531] : memref<1000000x32xf32, #tpu.memory_space<hbm>> -> memref<1000000x32xf32, #tpu.memory_space<hbm>>
    %dma_wait3A_533 = tpu.memref_slice %arg7[%dma_wait3A_523] : memref<3x!tpu.dma_semaphore, #tpu.memory_space<semaphore_mem>> -> memref<1x!tpu.dma_semaphore, #tpu.memory_space<semaphore_mem>>
    %dma_wait3A_534 = tpu.memref_squeeze %dma_wait3A_533 : memref<1x!tpu.dma_semaphore, #tpu.memory_space<semaphore_mem>> -> memref<!tpu.dma_semaphore, #tpu.memory_space<semaphore_mem>>
    tpu.wait_indirect_dma semaphore(%dma_wait3A_534 : memref<!tpu.dma_semaphore, #tpu.memory_space<semaphore_mem>>) src(%dma_wait3A_532 : memref<1000000x32xf32, #tpu.memory_space<hbm>>) dst(%dma_wait3A_527 : memref<1024x32xf32, #tpu.memory_space<vmem>>)
    %add3A_535 = arith.constant 9216 : i32
    %add3A_536 = arith.addi %mul3A_2, %add3A_535 : i32
    %dma_start3A_537 = arith.constant 0 : i32
    %dma_start3A_538 = arith.constant 0 : i32
    %dma_start3A_539 = arith.constant 0 : i32
    %dma_start3A_540 = arith.constant 0 : i32
    %dma_start3A_541 = tpu.memref_slice %arg6[%dma_start3A_537, %dma_start3A_539, %dma_start3A_540] : memref<3x1024x32xf32, #tpu.memory_space<vmem>> -> memref<1x1024x32xf32, #tpu.memory_space<vmem>>
    %dma_start3A_542 = tpu.memref_squeeze %dma_start3A_541 : memref<1x1024x32xf32, #tpu.memory_space<vmem>> -> memref<1024x32xf32, #tpu.memory_space<vmem>>
    %dma_start3A_543 = arith.constant 0 : i32
    %dma_start3A_544 = tpu.memref_slice %arg4[%add3A_536, %dma_start3A_543] : memref<327680x32xf32, #tpu.memory_space<hbm>> -> memref<1024x32xf32, #tpu.memory_space<hbm>>
    %dma_start3A_545 = tpu.memref_slice %arg8[%dma_start3A_538] : memref<3x!tpu.dma_semaphore, #tpu.memory_space<semaphore_mem>> -> memref<1x!tpu.dma_semaphore, #tpu.memory_space<semaphore_mem>>
    %dma_start3A_546 = tpu.memref_squeeze %dma_start3A_545 : memref<1x!tpu.dma_semaphore, #tpu.memory_space<semaphore_mem>> -> memref<!tpu.dma_semaphore, #tpu.memory_space<semaphore_mem>>
    %dma_start3A_547 = arith.constant 0 : i32
    %dma_start3A_548 = tpu.memref_slice %arg4[%add3A_536, %dma_start3A_547] : memref<327680x32xf32, #tpu.memory_space<hbm>> -> memref<1024x32xf32, #tpu.memory_space<hbm>>
    %dma_start3A_549 = arith.constant 0 : i32
    %dma_start3A_550 = arith.constant 0 : i32
    %dma_start3A_551 = tpu.memref_slice %arg6[%dma_start3A_537, %dma_start3A_549, %dma_start3A_550] : memref<3x1024x32xf32, #tpu.memory_space<vmem>> -> memref<1x1024x32xf32, #tpu.memory_space<vmem>>
    %dma_start3A_552 = tpu.memref_squeeze %dma_start3A_551 : memref<1x1024x32xf32, #tpu.memory_space<vmem>> -> memref<1024x32xf32, #tpu.memory_space<vmem>>
    tpu.enqueue_dma source(%dma_start3A_552 : memref<1024x32xf32, #tpu.memory_space<vmem>>) target(%dma_start3A_548 : memref<1024x32xf32, #tpu.memory_space<hbm>>) target_semaphore(%dma_start3A_546 : memref<!tpu.dma_semaphore, #tpu.memory_space<semaphore_mem>>)
    %dma_wait3A_553 = arith.constant 1 : i32
    %dma_wait3A_554 = arith.constant 1 : i32
    %dma_wait3A_555 = arith.constant 0 : i32
    %dma_wait3A_556 = arith.constant 0 : i32
    %dma_wait3A_557 = tpu.memref_slice %arg6[%dma_wait3A_553, %dma_wait3A_555, %dma_wait3A_556] : memref<3x1024x32xf32, #tpu.memory_space<vmem>> -> memref<1x1024x32xf32, #tpu.memory_space<vmem>>
    %dma_wait3A_558 = tpu.memref_squeeze %dma_wait3A_557 : memref<1x1024x32xf32, #tpu.memory_space<vmem>> -> memref<1024x32xf32, #tpu.memory_space<vmem>>
    %dma_wait3A_559 = arith.constant 0 : i32
    %dma_wait3A_560 = tpu.memref_slice %arg4[%add3A_474, %dma_wait3A_559] : memref<327680x32xf32, #tpu.memory_space<hbm>> -> memref<1024x32xf32, #tpu.memory_space<hbm>>
    %dma_wait3A_561 = tpu.memref_slice %arg8[%dma_wait3A_554] : memref<3x!tpu.dma_semaphore, #tpu.memory_space<semaphore_mem>> -> memref<1x!tpu.dma_semaphore, #tpu.memory_space<semaphore_mem>>
    %dma_wait3A_562 = tpu.memref_squeeze %dma_wait3A_561 : memref<1x!tpu.dma_semaphore, #tpu.memory_space<semaphore_mem>> -> memref<!tpu.dma_semaphore, #tpu.memory_space<semaphore_mem>>
    %dma_wait3A_563 = arith.constant 0 : i32
    %dma_wait3A_564 = tpu.memref_slice %arg4[%add3A_474, %dma_wait3A_563] : memref<327680x32xf32, #tpu.memory_space<hbm>> -> memref<1024x32xf32, #tpu.memory_space<hbm>>
    %dma_wait3A_565 = arith.constant 0 : i32
    %dma_wait3A_566 = arith.constant 0 : i32
    %dma_wait3A_567 = tpu.memref_slice %arg6[%dma_wait3A_553, %dma_wait3A_565, %dma_wait3A_566] : memref<3x1024x32xf32, #tpu.memory_space<vmem>> -> memref<1x1024x32xf32, #tpu.memory_space<vmem>>
    %dma_wait3A_568 = tpu.memref_squeeze %dma_wait3A_567 : memref<1x1024x32xf32, #tpu.memory_space<vmem>> -> memref<1024x32xf32, #tpu.memory_space<vmem>>
    tpu.wait_dma2 semaphore(%dma_wait3A_562 : memref<!tpu.dma_semaphore, #tpu.memory_space<semaphore_mem>>) src(%dma_wait3A_568 : memref<1024x32xf32, #tpu.memory_space<vmem>>) dst(%dma_wait3A_564 : memref<1024x32xf32, #tpu.memory_space<hbm>>)
    %dma_wait3A_569 = arith.constant 2 : i32
    %dma_wait3A_570 = arith.constant 2 : i32
    %dma_wait3A_571 = arith.constant 0 : i32
    %dma_wait3A_572 = arith.constant 0 : i32
    %dma_wait3A_573 = tpu.memref_slice %arg6[%dma_wait3A_569, %dma_wait3A_571, %dma_wait3A_572] : memref<3x1024x32xf32, #tpu.memory_space<vmem>> -> memref<1x1024x32xf32, #tpu.memory_space<vmem>>
    %dma_wait3A_574 = tpu.memref_squeeze %dma_wait3A_573 : memref<1x1024x32xf32, #tpu.memory_space<vmem>> -> memref<1024x32xf32, #tpu.memory_space<vmem>>
    %dma_wait3A_575 = arith.constant 0 : i32
    %dma_wait3A_576 = tpu.memref_slice %arg4[%add3A_505, %dma_wait3A_575] : memref<327680x32xf32, #tpu.memory_space<hbm>> -> memref<1024x32xf32, #tpu.memory_space<hbm>>
    %dma_wait3A_577 = tpu.memref_slice %arg8[%dma_wait3A_570] : memref<3x!tpu.dma_semaphore, #tpu.memory_space<semaphore_mem>> -> memref<1x!tpu.dma_semaphore, #tpu.memory_space<semaphore_mem>>
    %dma_wait3A_578 = tpu.memref_squeeze %dma_wait3A_577 : memref<1x!tpu.dma_semaphore, #tpu.memory_space<semaphore_mem>> -> memref<!tpu.dma_semaphore, #tpu.memory_space<semaphore_mem>>
    %dma_wait3A_579 = arith.constant 0 : i32
    %dma_wait3A_580 = tpu.memref_slice %arg4[%add3A_505, %dma_wait3A_579] : memref<327680x32xf32, #tpu.memory_space<hbm>> -> memref<1024x32xf32, #tpu.memory_space<hbm>>
    %dma_wait3A_581 = arith.constant 0 : i32
    %dma_wait3A_582 = arith.constant 0 : i32
    %dma_wait3A_583 = tpu.memref_slice %arg6[%dma_wait3A_569, %dma_wait3A_581, %dma_wait3A_582] : memref<3x1024x32xf32, #tpu.memory_space<vmem>> -> memref<1x1024x32xf32, #tpu.memory_space<vmem>>
    %dma_wait3A_584 = tpu.memref_squeeze %dma_wait3A_583 : memref<1x1024x32xf32, #tpu.memory_space<vmem>> -> memref<1024x32xf32, #tpu.memory_space<vmem>>
    tpu.wait_dma2 semaphore(%dma_wait3A_578 : memref<!tpu.dma_semaphore, #tpu.memory_space<semaphore_mem>>) src(%dma_wait3A_584 : memref<1024x32xf32, #tpu.memory_space<vmem>>) dst(%dma_wait3A_580 : memref<1024x32xf32, #tpu.memory_space<hbm>>)
    %dma_wait3A_585 = arith.constant 0 : i32
    %dma_wait3A_586 = arith.constant 0 : i32
    %dma_wait3A_587 = arith.constant 0 : i32
    %dma_wait3A_588 = arith.constant 0 : i32
    %dma_wait3A_589 = tpu.memref_slice %arg6[%dma_wait3A_585, %dma_wait3A_587, %dma_wait3A_588] : memref<3x1024x32xf32, #tpu.memory_space<vmem>> -> memref<1x1024x32xf32, #tpu.memory_space<vmem>>
    %dma_wait3A_590 = tpu.memref_squeeze %dma_wait3A_589 : memref<1x1024x32xf32, #tpu.memory_space<vmem>> -> memref<1024x32xf32, #tpu.memory_space<vmem>>
    %dma_wait3A_591 = arith.constant 0 : i32
    %dma_wait3A_592 = tpu.memref_slice %arg4[%add3A_536, %dma_wait3A_591] : memref<327680x32xf32, #tpu.memory_space<hbm>> -> memref<1024x32xf32, #tpu.memory_space<hbm>>
    %dma_wait3A_593 = tpu.memref_slice %arg8[%dma_wait3A_586] : memref<3x!tpu.dma_semaphore, #tpu.memory_space<semaphore_mem>> -> memref<1x!tpu.dma_semaphore, #tpu.memory_space<semaphore_mem>>
    %dma_wait3A_594 = tpu.memref_squeeze %dma_wait3A_593 : memref<1x!tpu.dma_semaphore, #tpu.memory_space<semaphore_mem>> -> memref<!tpu.dma_semaphore, #tpu.memory_space<semaphore_mem>>
    %dma_wait3A_595 = arith.constant 0 : i32
    %dma_wait3A_596 = tpu.memref_slice %arg4[%add3A_536, %dma_wait3A_595] : memref<327680x32xf32, #tpu.memory_space<hbm>> -> memref<1024x32xf32, #tpu.memory_space<hbm>>
    %dma_wait3A_597 = arith.constant 0 : i32
    %dma_wait3A_598 = arith.constant 0 : i32
    %dma_wait3A_599 = tpu.memref_slice %arg6[%dma_wait3A_585, %dma_wait3A_597, %dma_wait3A_598] : memref<3x1024x32xf32, #tpu.memory_space<vmem>> -> memref<1x1024x32xf32, #tpu.memory_space<vmem>>
    %dma_wait3A_600 = tpu.memref_squeeze %dma_wait3A_599 : memref<1x1024x32xf32, #tpu.memory_space<vmem>> -> memref<1024x32xf32, #tpu.memory_space<vmem>>
    tpu.wait_dma2 semaphore(%dma_wait3A_594 : memref<!tpu.dma_semaphore, #tpu.memory_space<semaphore_mem>>) src(%dma_wait3A_600 : memref<1024x32xf32, #tpu.memory_space<vmem>>) dst(%dma_wait3A_596 : memref<1024x32xf32, #tpu.memory_space<hbm>>)
    return
  }
}

module attributes {stable_mosaic.version = 14 : i64} {
  func.func @body(%arg0: i32, %arg1: memref<32x16128xf32, #tpu.memory_space<vmem>>, %arg2: memref<4032x128xf32, #tpu.memory_space<vmem>>) attributes {dimension_semantics = [#tpu.dimension_semantics<arbitrary>], iteration_bounds = array<i64: 63>, scalar_prefetch = 0 : i64, scratch_operands = 0 : i64, tpu.core_type = #tpu.core_type<tc>, window_params = [{transform_indices = @transform_0, window_bounds = array<i64: 32, 16128>}, {transform_indices = @transform_1, window_bounds = array<i64: 4032, 128>}]} {
    %get3A = arith.constant 0 : index
    %get3A_0 = arith.constant 0 : index
    %get3A_1 = vector.load %arg1[%get3A, %get3A_0] : memref<32x16128xf32, #tpu.memory_space<vmem>>, vector<32x16128xf32>
    %transpose3A = tpu.transpose %get3A_1, [1, 0] : vector<32x16128xf32> -> vector<16128x32xf32>
    %reshape3A = vector.shape_cast %transpose3A : vector<16128x32xf32> to vector<4032x4x32xf32>
    %slice3A = vector.extract_strided_slice %reshape3A {offsets = [0, 0, 0], sizes = [4032, 1, 32], strides = [1, 1, 1]} : vector<4032x4x32xf32> to vector<4032x1x32xf32>
    %squeeze3A = vector.shape_cast %slice3A : vector<4032x1x32xf32> to vector<4032x32xf32>
    %slice3A_2 = vector.extract_strided_slice %reshape3A {offsets = [0, 1, 0], sizes = [4032, 1, 32], strides = [1, 1, 1]} : vector<4032x4x32xf32> to vector<4032x1x32xf32>
    %squeeze3A_3 = vector.shape_cast %slice3A_2 : vector<4032x1x32xf32> to vector<4032x32xf32>
    %slice3A_4 = vector.extract_strided_slice %reshape3A {offsets = [0, 2, 0], sizes = [4032, 1, 32], strides = [1, 1, 1]} : vector<4032x4x32xf32> to vector<4032x1x32xf32>
    %squeeze3A_5 = vector.shape_cast %slice3A_4 : vector<4032x1x32xf32> to vector<4032x32xf32>
    %slice3A_6 = vector.extract_strided_slice %reshape3A {offsets = [0, 3, 0], sizes = [4032, 1, 32], strides = [1, 1, 1]} : vector<4032x4x32xf32> to vector<4032x1x32xf32>
    %squeeze3A_7 = vector.shape_cast %slice3A_6 : vector<4032x1x32xf32> to vector<4032x32xf32>
    %concatenate3A = tpu.concatenate %squeeze3A, %squeeze3A_3, %squeeze3A_5, %squeeze3A_7 in 1 : vector<4032x32xf32>, vector<4032x32xf32>, vector<4032x32xf32>, vector<4032x32xf32> -> vector<4032x128xf32>
    %swap3A = arith.constant 0 : index
    %swap3A_8 = arith.constant 0 : index
    %swap3A_9 = vector.load %arg2[%swap3A, %swap3A_8] : memref<4032x128xf32, #tpu.memory_space<vmem>>, vector<4032x128xf32>
    tpu.vector_store %arg2[%swap3A, %swap3A_8], %concatenate3A {strides = array<i32>} : memref<4032x128xf32, #tpu.memory_space<vmem>>, vector<4032x128xf32>,
    return
  }
  func.func @transform_0(%arg0: i32) -> (i32, i32) {
    %c0_i32 = arith.constant 0 : i32
    %c0_i32_0 = arith.constant 0 : i32
    return %c0_i32, %arg0 : i32, i32
  }
  func.func @transform_1(%arg0: i32) -> (i32, i32) {
    %c0_i32 = arith.constant 0 : i32
    %c0_i32_0 = arith.constant 0 : i32
    return %arg0, %c0_i32 : i32, i32
  }
}

</mosaic_0001>

<sc_bundles>
// kernel: kernel.4.cloned.1.call-start
scs
__scs_entry_jumppad:
0x0: {  	(pc) =	sbr.rel $0x88, $3  }
0x1: {  	(tag) =	ssettag $0x0;
	lr =	simm.s32 $0x1  }
0x2: {  	[smem:$0x3F9F] =	sst lr;
	_ =	strace $0xD0000000  }
0x3: {  	_ = 	snop  }
0x4: {  	_ = 	snop  }
0x5: {  	_ = 	snop  }
0x6: {  	_ = 	snop  }
0x7: {  	_ = 	snop  }
__scs_overlays_trampoline_lowered:
0x8: {  	[smem:$0x3FAE] =	sst s0  }
0x9: {  	[smem:$0x3FAF] =	sst s1  }
0xa: {  	[smem:$0x3FB0] =	sst s2  }
0xb: {  	[smem:$0x3FB1] =	sst s3  }
0xc: {  	[smem:$0x3FB2] =	sst s4  }
0xd: {  	[smem:$0x3FB3] =	sst s5  }
0xe: {  	[smem:$0x3FB4] =	sst s6  }
0xf: {  	[smem:$0x3FB5] =	sst s7  }
0x10: {  	[smem:$0x3FB6] =	sst s8  }
0x11: {  	[smem:$0x3FB7] =	sst s9;
	s0 =	simm.s32 @!p0 $0x0  }
0x12: {  	s1 =	sld [smem:$0x3F9D];
	s0 =	simm.s32 @p0 $0x1  }
0x13: {  	[smem:$0x3FB8] =	sst s0;
	s0 =	simm.s32 @!p1 $0x0  }
0x14: {  	s2 =	sld [smem:$0x3F9C];
	s0 =	simm.s32 @p1 $0x1  }
0x15: {  	[smem:$0x3FB9] =	sst s0;
	s0 =	simm.s32 @!p2 $0x0  }
0x16: {  	s3 =	sld [smem:$0x3FDB];
	s0 =	simm.s32 @p2 $0x1  }
0x17: {  	s4 =	simm.s32 $0x1BF5;
	[smem:$0x3FBB] =	sst s0  }
0x18: {  	s0 =	sld [smem:$0x3F9E];
	_ =	swait.ge [sflag:s4], $0x0  }
0x19: {  	s7 =	sld [smem:$0x3F9F]  }
0x1a: {  	s8 =	sadd.s32 $0xFFFFE003, lr  }
0x1b: {  	s9 =	sadd.s32 $0xFFFFFEF7, lr;
	s5 =	simm.s32 $0xFFFFFFFF;
	p2 =	slt.u32 s8, $0xFFFFF086  }
0x1c: {  	p1 =	slt.u32 s9, $0xF7A;
	s5 =	simm.s32 @!p2 $0x0  }
0x1d: {  	s5 =	simm.s32 @p1 $0x1;
	p0 =	seq.s32 s7, s2  }
0x1e: {  	s7 =	smul.u32 @!p0 $0xF7A, s2;
	p2 =	seq.s32 @!p0 s5, $0x0  }
0x1f: {  	s9 =	smul.u32 $0xF7A, s1;
	s8 =	simm.s32 @!p0 $0x1BF5;
	p2 =	por !p2, p0  }
0x20: {  	[sflag:s8] =	ssyncset.s32 @!p0 $0xFFFFF086;
	s6 =	sadd.s32 @!p0 s3, s7;
	s7 =	simm.s32 @!p0 $0x108  }
0x21: {  	s3 =	sadd.s32 s3, s9;
	s6 =	sadd.s32 @!p0 $0x88, s6;
	s7 =	simm.s32 @p2 $0x1082  }
0x22: {  	[simem:s7], [sflag:s8] =	dma.local @!p0 [hbm:s6], $0xF7A  }
0x23: {  	s9 =	sor.u32 $0xD0000000, s2;
	s6 =	simm.s32 $0x108;
	_ =	swait.ge @!p0 [sflag:s8], $0x0  }
0x24: {  	s3 =	sadd.s32 $0x88, s3;
	s6 =	simm.s32 @!p1 $0x1082;
	[sflag:s4] =	ssyncset.s32 $0xFFFFF086  }
0x25: {  	[simem:s6], [sflag:s4] =	dma.local [hbm:s3], $0xF7A  }
0x26: {  	[smem:$0x3F9F] =	sst s1;
	(tag) =	ssettag s2;
	_ =	strace s9  }
0x27: {  	s1 =	sld [smem:$0x3FAF]  }
0x28: {  	s2 =	sld [smem:$0x3FB0]  }
0x29: {  	s4 =	sld [smem:$0x3FB2]  }
0x2a: {  	p0 =	seq.s32 s5, $0x0;
	s5 =	sld [smem:$0x3FB3]  }
0x2b: {  	s6 =	sld [smem:$0x3FB4]  }
0x2c: {  	s7 =	sld [smem:$0x3FB5]  }
0x2d: {  	s3 =	simm.s32 $0x108;
	s8 =	sld [smem:$0x3FB6]  }
0x2e: {  	s3 =	simm.s32 @!p0 $0x1082;
	s9 =	sld [smem:$0x3FB7]  }
0x2f: {  	lr =	sadd.s32 s0, s3;
	s0 =	sld [smem:$0x3FAE]  }
0x30: {  	s3 =	sld [smem:$0x3FB1]  }
0x31: {  	[smem:$0x3FBA] =	sst s10  }
0x32: {  	s10 =	sld [smem:$0x3FB8];
	_ =	sdelay $0x3  }
0x33: {  	p0 =	seq.s32 s10, $0x1;
	s10 =	sld [smem:$0x3FBA];
	_ =	sdelay $0x3  }
0x34: {  	[smem:$0x3FBA] =	sst s10  }
0x35: {  	s10 =	sld [smem:$0x3FB9];
	_ =	sdelay $0x3  }
0x36: {  	p1 =	seq.s32 s10, $0x1;
	s10 =	sld [smem:$0x3FBA];
	_ =	sdelay $0x3  }
0x37: {  	[smem:$0x3FBA] =	sst s10  }
0x38: {  	s10 =	sld [smem:$0x3FBB]  }
0x39: {  	_ = 	snop;
	(pc) =	sbr.ind lr, $3  }
0x3a: {  	_ = 	snop  }
0x3b: {  	_ = 	snop  }
0x3c: {  	p2 =	seq.s32 s10, $0x1;
	s10 =	sld [smem:$0x3FBA]  }
0x3d: {  	_ =	shalt  }
0x3e: {  	_ =	shalt  }
0x3f: {  	_ =	shalt  }
0x40: {  	_ =	shalt  }
0x41: {  	_ =	shalt  }
0x42: {  	_ =	shalt  }
0x43: {  	_ =	shalt  }
0x44: {  	_ =	shalt  }
0x45: {  	_ =	shalt  }
0x46: {  	_ =	shalt  }
0x47: {  	_ =	shalt  }
0x48: {  	_ =	shalt  }
0x49: {  	_ =	shalt  }
0x4a: {  	_ =	shalt  }
0x4b: {  	_ =	shalt  }
0x4c: {  	_ =	shalt  }
0x4d: {  	_ =	shalt  }
0x4e: {  	_ =	shalt  }
0x4f: {  	_ =	shalt  }
0x50: {  	_ =	shalt  }
0x51: {  	_ =	shalt  }
0x52: {  	_ =	shalt  }
0x53: {  	_ =	shalt  }
0x54: {  	_ =	shalt  }
0x55: {  	_ =	shalt  }
0x56: {  	_ =	shalt  }
0x57: {  	_ =	shalt  }
0x58: {  	_ =	shalt  }
0x59: {  	_ =	shalt  }
0x5a: {  	_ =	shalt  }
0x5b: {  	_ =	shalt  }
0x5c: {  	_ =	shalt  }
0x5d: {  	_ =	shalt  }
0x5e: {  	_ =	shalt  }
0x5f: {  	_ =	shalt  }
0x60: {  	_ =	shalt  }
0x61: {  	_ =	shalt  }
0x62: {  	_ =	shalt  }
0x63: {  	_ =	shalt  }
0x64: {  	_ =	shalt  }
0x65: {  	_ =	shalt  }
0x66: {  	_ =	shalt  }
0x67: {  	_ =	shalt  }
0x68: {  	_ =	shalt  }
0x69: {  	_ =	shalt  }
0x6a: {  	_ =	shalt  }
0x6b: {  	_ =	shalt  }
0x6c: {  	_ =	shalt  }
0x6d: {  	_ =	shalt  }
0x6e: {  	_ =	shalt  }
0x6f: {  	_ =	shalt  }
0x70: {  	_ =	shalt  }
0x71: {  	_ =	shalt  }
0x72: {  	_ =	shalt  }
0x73: {  	_ =	shalt  }
0x74: {  	_ =	shalt  }
0x75: {  	_ =	shalt  }
0x76: {  	_ =	shalt  }
0x77: {  	_ =	shalt  }
0x78: {  	_ =	shalt  }
0x79: {  	_ =	shalt  }
0x7a: {  	_ =	shalt  }
0x7b: {  	_ =	shalt  }
0x7c: {  	_ =	shalt  }
0x7d: {  	_ =	shalt  }
0x7e: {  	_ =	shalt  }
0x7f: {  	_ =	shalt  }
0x80: {  	_ =	shalt  }
0x81: {  	_ =	shalt  }
0x82: {  	_ =	shalt  }
0x83: {  	_ =	shalt  }
0x84: {  	_ =	shalt  }
0x85: {  	_ =	shalt  }
0x86: {  	_ =	shalt  }
0x87: {  	_ =	shalt  }
.Lfunc_end0:
.L_simem_size_0:
called_computation.1_lowered:
.L_overlay_start_0:
0x88: {  	s2 =	sld [smem:$0x3FD9]  }
0x89: {  	s3 =	sld [smem:$0x3FFE];
	_ =	sdelay $0x1  }
0x8a: {  	s1 =	srdreg.scid  }
0x8b: {  	s0 =	sand.u32 $0x1, s1  }
0x8c: {  	s17 =	sshll.u32 s0, $0xA;
	s2 =	sadd.s32 s3, s2  }
0x8d: {  	s2 =	sadd.s32 s2, s17  }
0x8e: {  	[smem:$0x3FC6] =	sst s2  }
0x8f: {  	_ = 	snop  }
0x90: {  	s2 =	sld [smem:$0x3FD0];
	(tm) =	ssettm $0x1  }
0x91: {  	s18 =	sld [smem:$0x3FFB];
	_ =	sdelay $0x3  }
0x92: {  	_ =	strace s18  }
0x93: {  	s3 =	sld [smem:$0x3FFC];
	_ =	sdelay $0x3  }
0x94: {  	_ =	strace s3  }
0x95: {  	s3 =	sld [smem:$0x3FFD];
	_ =	sdelay $0x3  }
0x96: {  	_ =	strace s3  }
0x97: {  	_ =	strace $0x8FFFFFFF  }
0x98: {  	s19 =	sld [smem:$0x3FDB];
	_ =	sdelay $0x1  }
0x99: {  	s4 =	simm.s32 $_scs_section_size  }
0x9a: {  	s5 =	simm.s32 $_size__tile_overlayer_lowered;
	s6 =	simm.s32 $_tile_overlayer_lowered  }
0x9b: {  	s22 =	simm.s32 $0x1BFF;
	s21 =	sshll.u32 s6, $0x1;
	s3 =	sadd.s32 s4, s19  }
0x9c: {  	s7 =	simm.s32 $0x0;
	s20 =	sshll.u32 s5, $0x1;
	s5 =	sadd.s32 s21, s3  }
0x9d: {  	[timem:s7], [sflag:s22] =	dma.local [hbm:s5], s20  }
0x9e: {  	_ =	swait.ge [sflag:s22], s20  }
0x9f: {  	s4 =	ssub.s32 $0x0, s20;
	[sflag:s22] =	ssyncset.done $0x0  }
0xa0: {  	[sflag:s22] =	ssyncadd.s32 s4;
	_ =	sdelay $0x1  }
0xa1: {  	s23 =	simm.s32 $0x1B8B  }
0xa2: {  	_ =	swait.ge [sflag:s23], $0x1  }
0xa3: {  	[sflag:s23] =	ssyncset.done $0x0  }
0xa4: {  	s25 =	simm.s32 $0x1B8E;
	s24 =	sld [smem:$0x3FFE];
	[sflag:s23] =	ssyncadd.s32 $0xFFFFFFFF  }
0xa5: {  	s26 =	simm.s32 $execute0_lowered;
	[smem:$0x3FD2] =	sst s25  }
0xa6: {  	s5 =	sshll.u32 s26, $0x1;
	_ =	strace $0x80000046;
	[dreg:$0x1] =	wrdreg $0xFFFFFFFF  }
0xa7: {  	s28 =	simm.s32 $_size_execute0_lowered;
	s3 =	sadd.s32 s3, s5;
	[dreg:$0x0] =	wrdreg $0x0  }
0xa8: {  	s5 =	sshll.u32 s28, $0x1;
	[dreg:$0x2] =	wrdreg s3  }
0xa9: {  	[dreg:$0x3] =	wrdreg s5  }
0xaa: {  	[dreg:$0x4] =	wrdreg $0xC0  }
0xab: {  	_ =	task [dreg:s7], $0x5FFFF  }
0xac: {  	[dreg:$0x1] =	wrdreg $0xFFFFFFFF  }
0xad: {  	[dreg:$0x0] =	wrdreg $0x60  }
0xae: {  	[dreg:$0x2] =	wrdreg s24  }
0xaf: {  	[dreg:$0x3] =	wrdreg s2  }
0xb0: {  	[dreg:$0x4] =	wrdreg $0x9  }
0xb1: {  	_ =	task.clear_ibuf [dreg:s7], $0x5FFFF;
	_ =	strace $0x90000046  }
0xb2: {  	s29 =	simm.s32 $0x9;
	_ =	strace $0x80000048  }
0xb3: {  	_ =	swait.ge [sflag:s29], $0x1  }
0xb4: {  	[sflag:s29] =	ssyncadd.s32 $0xFFFFFFFF  }
0xb5: {  	_ =	strace $0x90000048  }
0xb6: {  	_ =	sfence  }
0xb7: {  	s30 =	sld [smem:$0x0];
	_ =	sdelay $0x2  }
0xb8: {  	s31 =	sshll.u32 s1, $0xD;
	s1 =	sshrl.u32 s1, $0x2  }
0xb9: {  	s3 =	sand.u32 $0x4000, s31;
	s1 =	sadd.s32 s1, s30  }
0xba: {  	s0 =	sor.u32 s3, s0;
	s1 =	sshll.u32 s1, $0x11  }
0xbb: {  	s0 =	sor.u32 s1, s0  }
0xbc: {  	s0 =	sadd.s32 $0x8F2B, s0  }
0xbd: {  	[sflag:s0] =	ssyncadd.remote.s32 $0x1  }
0xbe: {  	_ =	sfence.sel $0xFFFF  }
0xbf: {  	[dreg:$0x0] =	wrdreg $0xFFFFFFFF;
	(pc) =	sbr.abs _section_cstart, $3  }
0xc0: {  	[dreg:$0x1] =	wrdreg $0xFFFFFFFF  }
0xc1: {  	_ =	task.clear_ibuf [dreg:s7], $0x2FFFF;
	_ =	strace $0x9FFFFFFF  }
0xc2: {  	(tm) =	ssettm $0x7FFFFFFF  }
0xc3: {  	_ =	shalt  }
tec
execute0_lowered:
.L_overlay_start_1:
0x0: {  	(tag) =	ssettag $0x1  }
0x1: {  	s1 =	srdreg.scid;
	s0 =	stileid.u32  }
0x2: {  	s1 =	sand.u32 $0x1, s1;
	s2 =	sshll.u32 s0, $0x1  }
0x3: {  	s3 =	sor.u32 s1, s2  }
0x4: {  	s5 =	rddreg [dreg:$0x0];
	s6 =	smul.u32 $0x500, s3  }
0x5: {  	s4 =	rddreg [dreg:$0x1];
	s2 =	simm.s32 $0x0;
	s7 =	smul.u32 $0xA000, s3  }
0x6: {  	[smem:$0x7FF] =	sst s2;
	s8 =	smul.u32 $0x50000, s3;
	s6 =	sadd.s32 s6, s5  }
0x7: {  	_ =	strace $0x80000047;
	s3 =	sadd.s32 s4, s7;
	s24 =	sadd.s32 $0x800, s6  }
0x8: {  	s25 =	sshrl.u32 s8, $0x3;
	s7 =	sadd.s32 $0x1000, s3;
	[dreg:$0x3] =	wrdreg s24  }
0x9: {  	s31 =	sadd.s32 s4, s25;
	[dreg:$0x4] =	wrdreg s7  }
0xa: {  	s4 =	sadd.s32 $0x2000, s31;
	s26 =	rddreg [dreg:$0x3]  }
0xb: {  	[dreg:$0x5] =	wrdreg s4;
	s4 =	simm.s32 $0x7  }
0xc: {  	[tilespmem:s2], [sflag:$0x7] =	stream.linear.gather [hbm4b:s26+s2], $0x2800, $0x38;
	[tilespmem:$0x1A800] =	vst v63  }
0xd: {  	_ =	swait.ge [sflag:s4], $0x2800  }
0xe: {  	s5 =	sadd.s32 $0xA800, s5;
	[sflag:s4] =	ssyncset.done $0x0  }
0xf: {  	s6 =	simm.s32 $0x400;
	s7 =	simm.s32 $0x2800;
	[sflag:s4] =	ssyncadd.s32 $0xFFFFD800  }
0x10: {  	[tilespmem:s7], [sflag:$0x1] =	stream.indirect.gather [hbm4b:s5+s6], $0x20, s2, s6, $0xb8;
	[tilespmem:$0x1A800] =	vst v63  }
0x11: {  	s8 =	simm.s32 $0xA800  }
0x12: {  	[tilespmem:s8], [sflag:$0x2] =	stream.indirect.gather [hbm4b:s5+s6], $0x20, s6, s6, $0xb8;
	[tilespmem:$0x1A800] =	vst v63  }
0x13: {  	s9 =	simm.s32 $0x800;
	s10 =	simm.s32 $0x12800;
	s11 =	simm.s32 $0x1  }
0x14: {  	[tilespmem:s10], [sflag:$0x3] =	stream.indirect.gather [hbm4b:s5+s6], $0x20, s9, s6, $0xb8;
	[tilespmem:$0x1A800] =	vst v63  }
0x15: {  	_ =	swait.ge [sflag:s11], $0x8000  }
0x16: {  	[sflag:s11] =	ssyncset.done $0x0  }
0x17: {  	s12 =	simm.s32 $0x4;
	[sflag:s11] =	ssyncadd.s32 $0xFFFF8000  }
0x18: {  	[hbm4b:s3+s2] =	stream.linear.scatter [tilespmem:s7], [sflag:$0x4], $0x8000, $0x38;
	[tilespmem:$0x1A800] =	vst v63  }
0x19: {  	_ =	swait.ge [sflag:s12], $0x8000  }
0x1a: {  	[sflag:s12] =	ssyncset.done $0x0  }
0x1b: {  	s13 =	simm.s32 $0xC00;
	s14 =	simm.s32 $0x2;
	[sflag:s12] =	ssyncadd.s32 $0xFFFF8000  }
0x1c: {  	[tilespmem:s7], [sflag:$0x1] =	stream.indirect.gather [hbm4b:s5+s6], $0x20, s13, s6, $0xb8;
	[tilespmem:$0x1A800] =	vst v63  }
0x1d: {  	_ =	swait.ge [sflag:s14], $0x8000  }
0x1e: {  	[sflag:s14] =	ssyncset.done $0x0  }
0x1f: {  	s15 =	simm.s32 $0x5;
	s16 =	rddreg [dreg:$0x4];
	[sflag:s14] =	ssyncadd.s32 $0xFFFF8000  }
0x20: {  	[hbm4b:s16+s2] =	stream.linear.scatter [tilespmem:s8], [sflag:$0x5], $0x8000, $0x38;
	[tilespmem:$0x1A800] =	vst v63  }
0x21: {  	_ =	swait.ge [sflag:s15], $0x8000  }
0x22: {  	[sflag:s15] =	ssyncset.done $0x0  }
0x23: {  	s17 =	simm.s32 $0x3;
	s16 =	simm.s32 $0x1000;
	[sflag:s15] =	ssyncadd.s32 $0xFFFF8000  }
0x24: {  	[tilespmem:s8], [sflag:$0x2] =	stream.indirect.gather [hbm4b:s5+s6], $0x20, s16, s6, $0xb8;
	[tilespmem:$0x1A800] =	vst v63  }
0x25: {  	_ =	swait.ge [sflag:s17], $0x8000  }
0x26: {  	[sflag:s17] =	ssyncset.done $0x0  }
0x27: {  	s18 =	simm.s32 $0x6;
	s19 =	rddreg [dreg:$0x5];
	[sflag:s17] =	ssyncadd.s32 $0xFFFF8000  }
0x28: {  	[hbm4b:s19+s2] =	stream.linear.scatter [tilespmem:s10], [sflag:$0x6], $0x8000, $0x38;
	[tilespmem:$0x1A800] =	vst v63  }
0x29: {  	_ =	swait.ge [sflag:s18], $0x8000  }
0x2a: {  	[sflag:s18] =	ssyncset.done $0x0  }
0x2b: {  	s19 =	simm.s32 $0x1400;
	[sflag:s18] =	ssyncadd.s32 $0xFFFF8000  }
0x2c: {  	[tilespmem:s10], [sflag:$0x3] =	stream.indirect.gather [hbm4b:s5+s6], $0x20, s19, s6, $0xb8;
	[tilespmem:$0x1A800] =	vst v63  }
0x2d: {  	_ =	swait.ge [sflag:s11], $0x8000  }
0x2e: {  	[sflag:s11] =	ssyncset.done $0x0  }
0x2f: {  	s20 =	sadd.s32 $0x3000, s31;
	[sflag:s11] =	ssyncadd.s32 $0xFFFF8000  }
0x30: {  	[hbm4b:s20+s2] =	stream.linear.scatter [tilespmem:s7], [sflag:$0x4], $0x8000, $0x38;
	[tilespmem:$0x1A800] =	vst v63  }
0x31: {  	_ =	swait.ge [sflag:s12], $0x8000  }
0x32: {  	[sflag:s12] =	ssyncset.done $0x0  }
0x33: {  	s21 =	simm.s32 $0x1800;
	[sflag:s12] =	ssyncadd.s32 $0xFFFF8000  }
0x34: {  	[tilespmem:s7], [sflag:$0x1] =	stream.indirect.gather [hbm4b:s5+s6], $0x20, s21, s6, $0xb8;
	[tilespmem:$0x1A800] =	vst v63  }
0x35: {  	_ =	swait.ge [sflag:s14], $0x8000  }
0x36: {  	[sflag:s14] =	ssyncset.done $0x0  }
0x37: {  	s22 =	sadd.s32 $0x4000, s31;
	[sflag:s14] =	ssyncadd.s32 $0xFFFF8000  }
0x38: {  	[hbm4b:s22+s2] =	stream.linear.scatter [tilespmem:s8], [sflag:$0x5], $0x8000, $0x38;
	[tilespmem:$0x1A800] =	vst v63  }
0x39: {  	_ =	swait.ge [sflag:s15], $0x8000  }
0x3a: {  	[sflag:s15] =	ssyncset.done $0x0  }
0x3b: {  	s23 =	simm.s32 $0x1C00;
	[sflag:s15] =	ssyncadd.s32 $0xFFFF8000  }
0x3c: {  	[tilespmem:s8], [sflag:$0x2] =	stream.indirect.gather [hbm4b:s5+s6], $0x20, s23, s6, $0xb8;
	[tilespmem:$0x1A800] =	vst v63  }
0x3d: {  	_ =	swait.ge [sflag:s17], $0x8000  }
0x3e: {  	[sflag:s17] =	ssyncset.done $0x0  }
0x3f: {  	s24 =	sadd.s32 $0x5000, s31;
	[sflag:s17] =	ssyncadd.s32 $0xFFFF8000  }
0x40: {  	[hbm4b:s24+s2] =	stream.linear.scatter [tilespmem:s10], [sflag:$0x6], $0x8000, $0x38;
	[tilespmem:$0x1A800] =	vst v63  }
0x41: {  	_ =	swait.ge [sflag:s18], $0x8000  }
0x42: {  	[sflag:s18] =	ssyncset.done $0x0  }
0x43: {  	s25 =	simm.s32 $0x2000;
	[sflag:s18] =	ssyncadd.s32 $0xFFFF8000  }
0x44: {  	[tilespmem:s10], [sflag:$0x3] =	stream.indirect.gather [hbm4b:s5+s6], $0x20, s25, s6, $0xb8;
	[tilespmem:$0x1A800] =	vst v63  }
0x45: {  	_ =	swait.ge [sflag:s11], $0x8000  }
0x46: {  	[sflag:s11] =	ssyncset.done $0x0  }
0x47: {  	s26 =	sadd.s32 $0x6000, s31;
	[sflag:s11] =	ssyncadd.s32 $0xFFFF8000  }
0x48: {  	[hbm4b:s26+s2] =	stream.linear.scatter [tilespmem:s7], [sflag:$0x4], $0x8000, $0x38;
	[tilespmem:$0x1A800] =	vst v63  }
0x49: {  	_ =	swait.ge [sflag:s12], $0x8000  }
0x4a: {  	[sflag:s12] =	ssyncset.done $0x0  }
0x4b: {  	s28 =	simm.s32 $0x2400;
	[sflag:s12] =	ssyncadd.s32 $0xFFFF8000  }
0x4c: {  	[tilespmem:s7], [sflag:$0x1] =	stream.indirect.gather [hbm4b:s5+s6], $0x20, s28, s6, $0xb8;
	[tilespmem:$0x1A800] =	vst v63  }
0x4d: {  	_ =	swait.ge [sflag:s14], $0x8000  }
0x4e: {  	[sflag:s14] =	ssyncset.done $0x0  }
0x4f: {  	s29 =	sadd.s32 $0x7000, s31;
	[sflag:s14] =	ssyncadd.s32 $0xFFFF8000  }
0x50: {  	[hbm4b:s29+s2] =	stream.linear.scatter [tilespmem:s8], [sflag:$0x5], $0x8000, $0x38;
	[tilespmem:$0x1A800] =	vst v63  }
0x51: {  	_ =	swait.ge [sflag:s17], $0x8000  }
0x52: {  	[sflag:s17] =	ssyncset.done $0x0  }
0x53: {  	s30 =	sadd.s32 $0x8000, s31;
	[sflag:s17] =	ssyncadd.s32 $0xFFFF8000  }
0x54: {  	[hbm4b:s30+s2] =	stream.linear.scatter [tilespmem:s10], [sflag:$0x6], $0x8000, $0x38;
	[tilespmem:$0x1A800] =	vst v63  }
0x55: {  	s1 =	ssub.s32 $0x2, s1;
	_ =	swait.ge [sflag:s11], $0x8000  }
0x56: {  	s0 =	sshrl.u32 s1, $0x1;
	[sflag:s11] =	ssyncset.done $0x0  }
0x57: {  	s0 =	ssub.s32 s1, s0;
	s31 =	sadd.s32 $0x9000, s31;
	[sflag:s11] =	ssyncadd.s32 $0xFFFF8000  }
0x58: {  	[hbm4b:s31+s2] =	stream.linear.scatter [tilespmem:s7], [sflag:$0x4], $0x8000, $0x38;
	[tilespmem:$0x1A800] =	vst v63  }
0x59: {  	s0 =	smax.u32 s0, $0x1;
	_ =	swait.ge [sflag:s15], $0x8000  }
0x5a: {  	p0 =	sne.s32 s0, $0x1;
	[sflag:s15] =	ssyncset.done $0x0  }
.Ltmp0:
0x5b: {  	[sflag:s15] =	ssyncadd.s32 $0xFFFF8000;
	(pc) =	sbr.rel @!p0 .LBB2_2-.Ltmp0, $4  }
0x5c: {  	_ =	swait.ge [sflag:s18], $0x8000  }
0x5d: {  	[sflag:s18] =	ssyncset.done $0x0  }
0x5e: {  	[sflag:s18] =	ssyncadd.s32 $0xFFFF8000  }
0x5f: {  	s1 =	sadd.s32 $0xFFFFFFFF, s0;
	_ =	swait.ge [sflag:s12], $0x8000  }
.LBB2_1:
0x60: {  	[sflag:s12] =	ssyncset.done $0x0  }
0x61: {  	s0 =	rddreg [dreg:$0x3];
	[sflag:s12] =	ssyncadd.s32 $0xFFFF8000  }
0x62: {  	[tilespmem:s2], [sflag:$0x7] =	stream.linear.gather [hbm4b:s0+s2], $0x2800, $0x38;
	[tilespmem:$0x1A800] =	vst v63  }
0x63: {  	_ =	swait.ge [sflag:s4], $0x2800  }
0x64: {  	[sflag:s4] =	ssyncset.done $0x0  }
0x65: {  	[sflag:s4] =	ssyncadd.s32 $0xFFFFD800  }
0x66: {  	[tilespmem:s7], [sflag:$0x1] =	stream.indirect.gather [hbm4b:s5+s6], $0x20, s2, s6, $0xb8;
	[tilespmem:$0x1A800] =	vst v63  }
0x67: {  	_ = 	snop  }
0x68: {  	[tilespmem:s8], [sflag:$0x2] =	stream.indirect.gather [hbm4b:s5+s6], $0x20, s6, s6, $0xb8;
	[tilespmem:$0x1A800] =	vst v63  }
0x69: {  	_ = 	snop  }
0x6a: {  	[tilespmem:s10], [sflag:$0x3] =	stream.indirect.gather [hbm4b:s5+s6], $0x20, s9, s6, $0xb8;
	[tilespmem:$0x1A800] =	vst v63  }
0x6b: {  	_ =	swait.ge [sflag:s11], $0x8000  }
0x6c: {  	[sflag:s11] =	ssyncset.done $0x0  }
0x6d: {  	[sflag:s11] =	ssyncadd.s32 $0xFFFF8000  }
0x6e: {  	[hbm4b:s3+s2] =	stream.linear.scatter [tilespmem:s7], [sflag:$0x4], $0x8000, $0x38;
	[tilespmem:$0x1A800] =	vst v63  }
0x6f: {  	_ =	swait.ge [sflag:s12], $0x8000  }
0x70: {  	[sflag:s12] =	ssyncset.done $0x0  }
0x71: {  	[sflag:s12] =	ssyncadd.s32 $0xFFFF8000  }
0x72: {  	[tilespmem:s7], [sflag:$0x1] =	stream.indirect.gather [hbm4b:s5+s6], $0x20, s13, s6, $0xb8;
	[tilespmem:$0x1A800] =	vst v63  }
0x73: {  	_ =	swait.ge [sflag:s14], $0x8000  }
0x74: {  	[sflag:s14] =	ssyncset.done $0x0  }
0x75: {  	s0 =	rddreg [dreg:$0x4];
	[sflag:s14] =	ssyncadd.s32 $0xFFFF8000  }
0x76: {  	[hbm4b:s0+s2] =	stream.linear.scatter [tilespmem:s8], [sflag:$0x5], $0x8000, $0x38;
	[tilespmem:$0x1A800] =	vst v63  }
0x77: {  	_ =	swait.ge [sflag:s15], $0x8000  }
0x78: {  	[sflag:s15] =	ssyncset.done $0x0  }
0x79: {  	[sflag:s15] =	ssyncadd.s32 $0xFFFF8000  }
0x7a: {  	[tilespmem:s8], [sflag:$0x2] =	stream.indirect.gather [hbm4b:s5+s6], $0x20, s16, s6, $0xb8;
	[tilespmem:$0x1A800] =	vst v63  }
0x7b: {  	_ =	swait.ge [sflag:s17], $0x8000  }
0x7c: {  	[sflag:s17] =	ssyncset.done $0x0  }
0x7d: {  	s0 =	rddreg [dreg:$0x5];
	[sflag:s17] =	ssyncadd.s32 $0xFFFF8000  }
0x7e: {  	[hbm4b:s0+s2] =	stream.linear.scatter [tilespmem:s10], [sflag:$0x6], $0x8000, $0x38;
	[tilespmem:$0x1A800] =	vst v63  }
0x7f: {  	_ =	swait.ge [sflag:s18], $0x8000  }
0x80: {  	[sflag:s18] =	ssyncset.done $0x0  }
0x81: {  	[sflag:s18] =	ssyncadd.s32 $0xFFFF8000  }
0x82: {  	[tilespmem:s10], [sflag:$0x3] =	stream.indirect.gather [hbm4b:s5+s6], $0x20, s19, s6, $0xb8;
	[tilespmem:$0x1A800] =	vst v63  }
0x83: {  	_ =	swait.ge [sflag:s11], $0x8000  }
0x84: {  	[sflag:s11] =	ssyncset.done $0x0  }
0x85: {  	[sflag:s11] =	ssyncadd.s32 $0xFFFF8000  }
0x86: {  	[hbm4b:s20+s2] =	stream.linear.scatter [tilespmem:s7], [sflag:$0x4], $0x8000, $0x38;
	[tilespmem:$0x1A800] =	vst v63  }
0x87: {  	_ =	swait.ge [sflag:s12], $0x8000  }
0x88: {  	[sflag:s12] =	ssyncset.done $0x0  }
0x89: {  	[sflag:s12] =	ssyncadd.s32 $0xFFFF8000  }
0x8a: {  	[tilespmem:s7], [sflag:$0x1] =	stream.indirect.gather [hbm4b:s5+s6], $0x20, s21, s6, $0xb8;
	[tilespmem:$0x1A800] =	vst v63  }
0x8b: {  	_ =	swait.ge [sflag:s14], $0x8000  }
0x8c: {  	[sflag:s14] =	ssyncset.done $0x0  }
0x8d: {  	[sflag:s14] =	ssyncadd.s32 $0xFFFF8000  }
0x8e: {  	[hbm4b:s22+s2] =	stream.linear.scatter [tilespmem:s8], [sflag:$0x5], $0x8000, $0x38;
	[tilespmem:$0x1A800] =	vst v63  }
0x8f: {  	_ =	swait.ge [sflag:s15], $0x8000  }
0x90: {  	[sflag:s15] =	ssyncset.done $0x0  }
0x91: {  	[sflag:s15] =	ssyncadd.s32 $0xFFFF8000  }
0x92: {  	[tilespmem:s8], [sflag:$0x2] =	stream.indirect.gather [hbm4b:s5+s6], $0x20, s23, s6, $0xb8;
	[tilespmem:$0x1A800] =	vst v63  }
0x93: {  	_ =	swait.ge [sflag:s17], $0x8000  }
0x94: {  	[sflag:s17] =	ssyncset.done $0x0  }
0x95: {  	[sflag:s17] =	ssyncadd.s32 $0xFFFF8000  }
0x96: {  	[hbm4b:s24+s2] =	stream.linear.scatter [tilespmem:s10], [sflag:$0x6], $0x8000, $0x38;
	[tilespmem:$0x1A800] =	vst v63  }
0x97: {  	_ =	swait.ge [sflag:s18], $0x8000  }
0x98: {  	[sflag:s18] =	ssyncset.done $0x0  }
0x99: {  	[sflag:s18] =	ssyncadd.s32 $0xFFFF8000  }
0x9a: {  	[tilespmem:s10], [sflag:$0x3] =	stream.indirect.gather [hbm4b:s5+s6], $0x20, s25, s6, $0xb8;
	[tilespmem:$0x1A800] =	vst v63  }
0x9b: {  	_ =	swait.ge [sflag:s11], $0x8000  }
0x9c: {  	[sflag:s11] =	ssyncset.done $0x0  }
0x9d: {  	[sflag:s11] =	ssyncadd.s32 $0xFFFF8000  }
0x9e: {  	[hbm4b:s26+s2] =	stream.linear.scatter [tilespmem:s7], [sflag:$0x4], $0x8000, $0x38;
	[tilespmem:$0x1A800] =	vst v63  }
0x9f: {  	_ =	swait.ge [sflag:s12], $0x8000  }
0xa0: {  	[sflag:s12] =	ssyncset.done $0x0  }
0xa1: {  	[sflag:s12] =	ssyncadd.s32 $0xFFFF8000  }
0xa2: {  	[tilespmem:s7], [sflag:$0x1] =	stream.indirect.gather [hbm4b:s5+s6], $0x20, s28, s6, $0xb8;
	[tilespmem:$0x1A800] =	vst v63  }
0xa3: {  	_ =	swait.ge [sflag:s14], $0x8000  }
0xa4: {  	[sflag:s14] =	ssyncset.done $0x0  }
0xa5: {  	[sflag:s14] =	ssyncadd.s32 $0xFFFF8000  }
0xa6: {  	[hbm4b:s29+s2] =	stream.linear.scatter [tilespmem:s8], [sflag:$0x5], $0x8000, $0x38;
	[tilespmem:$0x1A800] =	vst v63  }
0xa7: {  	_ =	swait.ge [sflag:s17], $0x8000  }
0xa8: {  	[sflag:s17] =	ssyncset.done $0x0  }
0xa9: {  	[sflag:s17] =	ssyncadd.s32 $0xFFFF8000  }
0xaa: {  	[hbm4b:s30+s2] =	stream.linear.scatter [tilespmem:s10], [sflag:$0x6], $0x8000, $0x38;
	[tilespmem:$0x1A800] =	vst v63  }
0xab: {  	_ =	swait.ge [sflag:s11], $0x8000  }
0xac: {  	[sflag:s11] =	ssyncset.done $0x0  }
0xad: {  	[sflag:s11] =	ssyncadd.s32 $0xFFFF8000  }
0xae: {  	[hbm4b:s31+s2] =	stream.linear.scatter [tilespmem:s7], [sflag:$0x4], $0x8000, $0x38;
	[tilespmem:$0x1A800] =	vst v63  }
0xaf: {  	_ =	swait.ge [sflag:s15], $0x8000  }
0xb0: {  	p0 =	sne.s32 s1, $0x1;
	[sflag:s15] =	ssyncset.done $0x0  }
.Ltmp1:
0xb1: {  	[sflag:s15] =	ssyncadd.s32 $0xFFFF8000;
	(pc) =	sbr.rel @p0 .LBB2_1-.Ltmp1, $4  }
0xb2: {  	_ =	swait.ge [sflag:s18], $0x8000  }
0xb3: {  	[sflag:s18] =	ssyncset.done $0x0  }
0xb4: {  	[sflag:s18] =	ssyncadd.s32 $0xFFFF8000  }
0xb5: {  	s1 =	sadd.s32 $0xFFFFFFFF, s1;
	_ =	swait.ge [sflag:s12], $0x8000  }
.LBB2_2:
0xb6: {  	[sflag:s12] =	ssyncset.done $0x0  }
0xb7: {  	[sflag:s12] =	ssyncadd.s32 $0xFFFF8000  }
0xb8: {  	_ =	sfence.sel $0x180000  }
0xb9: {  	[bflag:$0x0] =	sbarrier.arrive $0xFFFF  }
0xba: {  	_ =	strace $0x90000047  }
0xbb: {  	s0 =	stileid.u32;
	[bflag:$0x2] =	sbarrier.arrive $0xFFFF  }
0xbc: {  	p0 =	sne.s32 s0, $0x0;
	s0 =	rddreg [dreg:$0x2]  }
0xbd: {  	s0 =	sadd.s32 @!p0 $0x100000, s0  }
0xbe: {  	[sflag:s0] =	ssyncadd.tile.s32 @!p0 $0x1;
	_ =	shalt  }
.Lfunc_end2:
_tile_overlayer_lowered:
.L_overlay_start_2:
0xbf: {  	(tag) =	ssettag $0x2  }
0xc0: {  	s0 =	rddreg [dreg:$0x0];
	s2 =	stileid.u32  }
0xc1: {  	s1 =	rddreg [dreg:$0x1];
	p0 =	sne.s32 s2, $0x0  }
0xc2: {  	s3 =	rddreg [dreg:$0x2];
	[bflag:$0x3] =	sbarrier.arrive $0xFFFF;
	s2 =	simm.s32 @!p0 $0x1C07  }
0xc3: {  	[timem:s3], [sflag:s2] =	dma.local @!p0 [hbm:s0], s1  }
0xc4: {  	s0 =	simm.s32 @!p0 $0x7  }
0xc5: {  	_ =	swait.ge @!p0 [sflag:s0], s1  }
0xc6: {  	s1 =	ssub.s32 @!p0 $0x0, s1;
	[sflag:s0] =	ssyncset.done @!p0 $0x0  }
0xc7: {  	[sflag:s0] =	ssyncadd.s32 @!p0 s1  }
0xc8: {  	[bflag:$0x3] =	sbarrier.arrive $0xFFFF  }
0xc9: {  	_ =	shalt  }

// kernel: sparse-core-data-format-call.cloned.1.call-start
scs
called_computation_lowered:
.L_overlay_start_0:
0x0: {  	s2 =	sld [smem:$0x3FD9]  }
0x1: {  	s3 =	sld [smem:$0x3FFE];
	_ =	sdelay $0x1  }
0x2: {  	s1 =	srdreg.scid  }
0x3: {  	s0 =	sand.u32 $0x1, s1  }
0x4: {  	s18 =	sshll.u32 s0, $0xA;
	s2 =	sadd.s32 s3, s2  }
0x5: {  	s2 =	sadd.s32 s2, s18  }
0x6: {  	[smem:$0x3FC6] =	sst s2  }
0x7: {  	_ = 	snop  }
0x8: {  	s2 =	sld [smem:$0x3FD0];
	(tm) =	ssettm $0x1  }
0x9: {  	s19 =	sld [smem:$0x3FFB];
	_ =	sdelay $0x3  }
0xa: {  	_ =	strace s19  }
0xb: {  	s3 =	sld [smem:$0x3FFC];
	_ =	sdelay $0x3  }
0xc: {  	_ =	strace s3  }
0xd: {  	s3 =	sld [smem:$0x3FFD];
	_ =	sdelay $0x3  }
0xe: {  	_ =	strace s3  }
0xf: {  	_ =	strace $0x8FFFFFFF  }
0x10: {  	s20 =	sld [smem:$0x3FDB];
	_ =	sdelay $0x1  }
0x11: {  	s4 =	simm.s32 $_scs_section_size  }
0x12: {  	s5 =	simm.s32 $_size__tile_overlayer_lowered;
	s6 =	simm.s32 $_tile_overlayer_lowered  }
0x13: {  	s23 =	simm.s32 $0x1BFF;
	s22 =	sshll.u32 s6, $0x1;
	s3 =	sadd.s32 s4, s20  }
0x14: {  	s7 =	simm.s32 $0x0;
	s21 =	sshll.u32 s5, $0x1;
	s5 =	sadd.s32 s22, s3  }
0x15: {  	[timem:s7], [sflag:s23] =	dma.local [hbm:s5], s21  }
0x16: {  	_ =	swait.ge [sflag:s23], s21  }
0x17: {  	s4 =	ssub.s32 $0x0, s21;
	[sflag:s23] =	ssyncset.done $0x0  }
0x18: {  	[sflag:s23] =	ssyncadd.s32 s4;
	_ =	sdelay $0x1  }
0x19: {  	s24 =	simm.s32 $0x1B8B  }
0x1a: {  	_ =	swait.ge [sflag:s24], $0x1  }
0x1b: {  	[sflag:s24] =	ssyncset.done $0x0  }
0x1c: {  	s26 =	simm.s32 $0x1B8E;
	s25 =	sld [smem:$0x3FFE];
	[sflag:s24] =	ssyncadd.s32 $0xFFFFFFFF  }
0x1d: {  	s27 =	simm.s32 $execute0_lowered;
	[smem:$0x3FD2] =	sst s26  }
0x1e: {  	s5 =	sshll.u32 s27, $0x1;
	_ =	strace $0x80000049;
	[dreg:$0x1] =	wrdreg $0xFFFFFFFF  }
0x1f: {  	s28 =	simm.s32 $_size_execute0_lowered;
	s3 =	sadd.s32 s3, s5;
	[dreg:$0x0] =	wrdreg $0x0  }
0x20: {  	s5 =	sshll.u32 s28, $0x1;
	[dreg:$0x2] =	wrdreg s3  }
0x21: {  	[dreg:$0x3] =	wrdreg s5  }
0x22: {  	[dreg:$0x4] =	wrdreg $0xC0  }
0x23: {  	_ =	task [dreg:s7], $0x5FFFF  }
0x24: {  	[dreg:$0x1] =	wrdreg $0xFFFFFFFF  }
0x25: {  	[dreg:$0x0] =	wrdreg $0x60  }
0x26: {  	[dreg:$0x2] =	wrdreg s25  }
0x27: {  	[dreg:$0x3] =	wrdreg s2  }
0x28: {  	[dreg:$0x4] =	wrdreg $0x9  }
0x29: {  	_ =	task.clear_ibuf [dreg:s7], $0x5FFFF;
	_ =	strace $0x90000049  }
0x2a: {  	s29 =	simm.s32 $0x9;
	_ =	strace $0x8000004B  }
0x2b: {  	_ =	swait.ge [sflag:s29], $0x1  }
0x2c: {  	[sflag:s29] =	ssyncadd.s32 $0xFFFFFFFF  }
0x2d: {  	_ =	strace $0x9000004B  }
0x2e: {  	_ =	sfence  }
0x2f: {  	s30 =	sld [smem:$0x0];
	_ =	sdelay $0x2  }
0x30: {  	s31 =	sshll.u32 s1, $0xD;
	s1 =	sshrl.u32 s1, $0x2  }
0x31: {  	s3 =	sand.u32 $0x4000, s31;
	s1 =	sadd.s32 s1, s30  }
0x32: {  	s0 =	sor.u32 s3, s0;
	s1 =	sshll.u32 s1, $0x11  }
0x33: {  	s0 =	sor.u32 s1, s0  }
0x34: {  	s0 =	sadd.s32 $0x8F2B, s0  }
0x35: {  	[sflag:s0] =	ssyncadd.remote.s32 $0x1  }
0x36: {  	_ =	sfence.sel $0xFFFF  }
0x37: {  	[dreg:$0x0] =	wrdreg $0xFFFFFFFF;
	(pc) =	sbr.abs _section_cstart, $3  }
0x38: {  	[dreg:$0x1] =	wrdreg $0xFFFFFFFF  }
0x39: {  	_ =	task.clear_ibuf [dreg:s7], $0x2FFFF;
	_ =	strace $0x9FFFFFFF  }
0x3a: {  	(tm) =	ssettm $0x7FFFFFFF  }
0x3b: {  	_ =	shalt  }
tec
execute0_lowered:
.L_overlay_start_1:
0x0: {  	(tag) =	ssettag $0x1  }
0x1: {  	s0 =	srdreg.scid  }
0x2: {  	s1 =	sshll.u32 s0, $0x4  }
0x3: {  	s0 =	stileid.u32;
	s1 =	sand.u32 $0x10, s1  }
0x4: {  	s1 =	sor.u32 s0, s1  }
0x5: {  	s6 =	rddreg [dreg:$0x0];
	s4 =	simm.s32 $0x1;
	s2 =	sshll.u32 s1, $0x7  }
0x6: {  	s7 =	simm.s32 $0x2;
	s12 =	simm.s32 $0x0;
	s1 =	ssub.s32 $0x4000, s2  }
0x7: {  	s8 =	simm.s32 $0x20000;
	s13 =	simm.s32 $0x0;
	s3 =	sand.u32 $0xF80, s1  }
0x8: {  	s9 =	simm.s32 $0x0;
	s5 =	sshrl.u32 s1, $0xC;
	p0 =	sne.s32 s3, $0x0  }
.Ltmp0:
0x9: {  	s1 =	rddreg [dreg:$0x2];
	s4 =	simm.s32 @!p0 $0x0;
	(pc) =	sbr.rel .LBB1_1-.Ltmp0, $4  }
0xa: {  	s11 =	simm.s32 $0x0;
	s3 =	rddreg [dreg:$0x1];
	s5 =	sadd.s32 s4, s5  }
0xb: {  	_ =	strace $0x8000004A;
	s4 =	simm.s32 $0x1;
	s5 =	smul.u32 $0x14, s5  }
0xc: {  	s6 =	sadd.s32 $0x800, s6;
	s10 =	smov.u32 s2;
	[sflag:s4] =	ssyncpa.u1 $0x0  }
0xd: {  	p0 =	por $0x0, $0x0;
	[sflag:s7] =	ssyncpa.u1 $0x0;
	s7 =	sor.u32 $0x1, s5  }
.LBB1_4:
0xe: {  	s16 =	sshll.u32 s13, $0x3;
	s17 =	sand.u32 $0x78, s13  }
0xf: {  	s30 =	sand.u32 $0xF800, s13;
	s12 =	sshll.u32 s12, $0x10;
	s16 =	sand.u32 $0x3C00, s16  }
0x10: {  	s31 =	sand.u32 $0x7, s13;
	s16 =	sor.u32 s17, s16;
	s17 =	sadd.s32 s3, s30  }
0x11: {  	s13 =	sshll.u32 s31, $0x12;
	s16 =	sshrl.u32 s16, $0x3;
	s12 =	sadd.s32 s12, s17  }
0x12: {  	[tilespmem:s15+$0x0 ss:$0x81] =	vst.msk $0xffff, v0;
	s13 =	sor.u32 $0x400, s13;
	s12 =	sadd.s32 s16, s12  }
0x13: {  	[hbm4b:s12+s13] =	stream.strided.scatter [tilespmem:s14], [sflag:$0x2], $0x1000, s8, s13, $0x20;
	[tilespmem:$0x4040] =	vst v63  }
.LBB1_5:
0x14: {  	s14 =	sadd.s32 $0x1, s9  }
0x15: {  	s12 =	sadd.s32 $0x1000, s10;
	s16 =	smov.u32 s10;
	p2 =	sgt.s32 s14, $0x13  }
0x16: {  	s16 =	smov.u32 @p2 s12  }
0x17: {  	s14 =	simm.s32 @p2 $0x0;
	p2 =	sgt.s32 s16, $0x3FFF  }
0x18: {  	s16 =	smov.u32 @p2 s2;
	p2 =	sne.s32 s11, s7  }
.Ltmp1:
0x19: {  	p1 =	slt.u32 s11, $0x2;
	(pc) =	sbr.rel @!p2 .LBB1_6-.Ltmp1, $4  }
0x1a: {  	s15 =	simm.s32 @!p1 $0x2  }
0x1b: {  	s13 =	smov.u32 s10;
	p0 =	por !p0, !p0;
	_ =	swait.ge @!p1 [sflag:s15], $0x1000  }
0x1c: {  	s12 =	smov.u32 s9;
	[sflag:s15] =	ssyncset.done @!p1 $0x0;
	s9 =	smov.u32 s14  }
0x1d: {  	s11 =	sadd.s32 $0x1, s11;
	[sflag:s15] =	ssyncadd.s32 @!p1 $0xFFFFF000;
	s10 =	smov.u32 s16  }
.LBB1_1:
0x1e: {  	p1 =	sge.u32 s11, s5  }
0x1f: {  	s14 =	sand.u32 @!p1 $0x1FFFFFF, s9  }
0x20: {  	s15 =	smulhi.u32 @!p1 $0xAAAAAAB, s14;
	_ =	sdelay $0x1  }
0x21: {  	s15 =	smul.u32 @!p1 $0x18, s15  }
0x22: {  	s16 =	sxor.u32 @!p1 $0xFFFFFFFF, s11;
	s17 =	smul.u32 @!p1 $0x180, s10  }
0x23: {  	s31 =	sadd.s32 $0xFFFFFFFF, s11;
	s16 =	sshll.u32 @!p1 s16, $0xC;
	s14 =	ssub.s32 @!p1 s14, s15  }
0x24: {  	s15 =	sand.u32 @!p1 $0x1000, s16;
	s16 =	sadd.s32 @!p1 s6, s17;
	s14 =	sshll.u32 @!p1 s14, $0x4  }
0x25: {  	s17 =	simm.s32 @!p1 $0xC00;
	s14 =	sadd.s32 @!p1 s14, s16;
	s16 =	simm.s32 @!p1 $0x20  }
0x26: {  	[tilespmem:s15], [sflag:$0x1] =	stream.strided.gather @!p1 [hbm4b:s14+s16], $0x1000, s17, s16, $0x38;
	[tilespmem:$0x4040] =	vst v63  }
0x27: {  	p1 =	sge.u32 s31, s5  }
.Ltmp2:
0x28: {  	_ = 	snop;
	(pc) =	sbr.rel @p1 .LBB1_5-.Ltmp2, $1  }
0x29: {  	_ =	sdelay $0x3  }
0x2a: {  	s14 =	simm.s32 $0x1  }
0x2b: {  	_ =	swait.ge [sflag:s4], $0x1000;
	s14 =	simm.s32 @!p0 $0x0  }
0x2c: {  	[sflag:s4] =	ssyncset.done $0x0;
	s15 =	sshll.u32 s14, $0xC  }
0x2d: {  	[sflag:s4] =	ssyncadd.s32 $0xFFFFF000;
	s18 =	sor.u32 $0x10, s15  }
0x2e: {  	s14 =	smul.u32 $0x4080, s14;
	v1 =	vld [tilespmem:s18+$0x0]  }
0x2f: {  	s30 =	sand.u32 $0x1, s11;
	v0 =	vld [tilespmem:s18+$0xFFFFFFF0]  }
0x30: {  	s15 =	smul.u32 $0x4080, s30;
	s14 =	sshrl.u32 s14, $0x2  }
0x31: {  	s16 =	sor.u32 $0x2000, s14  }
0x32: {  	s31 =	sshrl.u32 s15, $0x2;
	s15 =	sadd.s32 $0x0, s16  }
0x33: {  	s17 =	simm.s32 $0x4;
	s18 =	sadd.s32 $0x20, s18;
	s14 =	sor.u32 $0x2000, s31;
	[tilespmem:s15+$0x810 ss:$0x81] =	vst.msk $0xffff, v1  }
.LBB1_3:
0x34: {  	v1 =	vld [tilespmem:s18+$0x0];
	p1 =	sne.s32 s17, $0x1FC;
	[tilespmem:s15+$0x0 ss:$0x81] =	vst.msk $0xffff, v0;
	s15 =	smov.u32 s17;
	s17 =	sadd.s32 $0x4, s17  }
.Ltmp3:
0x35: {  	v0 =	vld [tilespmem:s18+$0xFFFFFFF0];
	(pc) =	sbr.rel @p1 .LBB1_3-.Ltmp3, $4  }
0x36: {  	_ = 	snop  }
0x37: {  	s15 =	sshra.s32 s15, $0x2  }
0x38: {  	s15 =	sadd.s32 s15, s16  }
0x39: {  	s18 =	sadd.s32 $0x20, s18;
	[tilespmem:s15+$0x810 ss:$0x81] =	vst.msk $0xffff, v1  }
.Ltmp4:
0x3a: {  	_ = 	snop;
	(pc) =	sbr.rel .LBB1_4-.Ltmp4, $1  }
0x3b: {  	_ =	sdelay $0x3  }
.LBB1_6:
0x3c: {  	_ =	sfence.sel $0x180000  }
0x3d: {  	s2 =	simm.s32 $0x1;
	[bflag:$0x0] =	sbarrier.arrive $0xFFFF  }
0x3e: {  	s31 =	simm.s32 $0x2;
	[sflag:s2] =	ssyncpa.u1 $0x1  }
0x3f: {  	[sflag:s31] =	ssyncpa.u1 $0x1  }
0x40: {  	p0 =	sne.s32 s0, $0x0;
	_ =	strace $0x9000004A  }
0x41: {  	s0 =	sadd.s32 @!p0 $0x100000, s1;
	[bflag:$0x2] =	sbarrier.arrive $0xFFFF  }
0x42: {  	[sflag:s0] =	ssyncadd.tile.s32 @!p0 $0x1;
	_ =	shalt  }
.Lfunc_end1:
_tile_overlayer_lowered:
.L_overlay_start_2:
0x43: {  	(tag) =	ssettag $0x2  }
0x44: {  	s0 =	rddreg [dreg:$0x0];
	s2 =	stileid.u32  }
0x45: {  	s1 =	rddreg [dreg:$0x1];
	p0 =	sne.s32 s2, $0x0  }
0x46: {  	s3 =	rddreg [dreg:$0x2];
	[bflag:$0x3] =	sbarrier.arrive $0xFFFF;
	s2 =	simm.s32 @!p0 $0x1C01  }
0x47: {  	[timem:s3], [sflag:s2] =	dma.local @!p0 [hbm:s0], s1  }
0x48: {  	s0 =	simm.s32 @!p0 $0x1  }
0x49: {  	_ =	swait.ge @!p0 [sflag:s0], s1  }
0x4a: {  	s1 =	ssub.s32 @!p0 $0x0, s1;
	[sflag:s0] =	ssyncset.done @!p0 $0x0  }
0x4b: {  	[sflag:s0] =	ssyncadd.s32 @!p0 s1  }
0x4c: {  	[bflag:$0x3] =	sbarrier.arrive $0xFFFF  }
0x4d: {  	_ =	shalt  }

</sc_bundles>
